<compile_context>
chip_gen: v7x
topology: tpu7x:2x2x1
jax: 0.10.2.dev20260603
libtpu: 0.0.44.dev20260713+nightly
codegen_flags: <defaults>
</compile_context>

<pallas_src>
import functools

import jax
import jax.numpy as jnp
from jax import lax
from jax.experimental import pallas as pl
from jax.experimental.pallas import tpu as pltpu
from jax.experimental.pallas import tpu_sc as plsc

N = 10000
NODE_IN = 16
HIDDEN = 16
NROW = N // 8

NC = 2
NS = 16
NW = NC * NS
CHUNK = 128


def _mesh():
    return plsc.VectorSubcoreMesh(
        core_axis_name="c", subcore_axis_name="s", num_cores=NC, num_subcores=NS)


_SC_PARAMS = pltpu.CompilerParams(use_tc_tiling_on_sc=False)


def _valid_chunks(wid, e_true, n_chunks):
    per_w = n_chunks * CHUNK
    rem = e_true - wid * per_w
    rem = jnp.clip(rem, 0, per_w)
    return (rem + CHUNK - 1) // CHUNK


def _make_gather(e_pad, n_chunks, f, e_true, with_count):
    per_w = n_chunks * CHUNK
    stripe = N // NS

    if with_count:
        out_type = (jax.ShapeDtypeStruct((e_pad, f), jnp.float32),
                    jax.ShapeDtypeStruct((NC, N, f), jnp.float32))
        scratch = [
            pltpu.VMEM((n_chunks, CHUNK), jnp.int32),
            pltpu.VMEM((n_chunks, CHUNK), jnp.int32),
            pltpu.VMEM((per_w, f), jnp.float32),
            pltpu.VMEM((CHUNK, f), jnp.float32),
            pltpu.VMEM_SHARED((N, f), jnp.float32),
            pltpu.SemaphoreType.DMA,
            pltpu.SemaphoreType.DMA,
        ]
    else:
        out_type = jax.ShapeDtypeStruct((e_pad, f), jnp.float32)
        scratch = [
            pltpu.VMEM((n_chunks, CHUNK), jnp.int32),
            pltpu.VMEM((per_w, f), jnp.float32),
            pltpu.SemaphoreType.DMA,
        ]

    @functools.partial(
        pl.kernel,
        out_type=out_type,
        mesh=_mesh(),
        scratch_types=scratch,
        compiler_params=_SC_PARAMS,
    )
    def gather_k(table, idx, *rest):
        if with_count:
            (didx, zeros, ones, out, out_c,
             idx_v, didx_v, rows_v, ones_v, acc_c, sem, sem_c) = rest
        else:
            out, idx_v, rows_v, sem = rest
        cid = lax.axis_index("c")
        sid = lax.axis_index("s")
        wid = sid * NC + cid
        nv = _valid_chunks(wid, e_true, n_chunks)
        pltpu.sync_copy(idx.at[wid], idx_v)
        if with_count:
            pltpu.sync_copy(zeros.at[pl.ds(sid * stripe, stripe)],
                            acc_c.at[pl.ds(sid * stripe, stripe)])
            pltpu.sync_copy(didx.at[wid], didx_v)
            pltpu.sync_copy(ones, ones_v)
            plsc.subcore_barrier()

            def fire_cnt(c, carry):
                pltpu.async_copy(ones_v, acc_c.at[didx_v.at[c]], sem_c,
                                 add=True)
                return carry

            lax.fori_loop(0, nv, fire_cnt, 0)

        def fire(c, carry):
            pltpu.async_copy(table.at[idx_v.at[c]],
                             rows_v.at[pl.ds(c * CHUNK, CHUNK)], sem)
            return carry

        lax.fori_loop(0, nv, fire, 0)

        def drain(c, carry):
            pltpu.make_async_copy(out.at[pl.ds(0, CHUNK)],
                                  rows_v.at[pl.ds(0, CHUNK)], sem).wait()
            return carry

        lax.fori_loop(0, nv, drain, 0)
        pltpu.sync_copy(rows_v, out.at[pl.ds(wid * per_w, per_w)])

        if with_count:
            def drain_cnt(c, carry):
                pltpu.make_async_copy(ones, ones_v, sem_c).wait()
                return carry

            lax.fori_loop(0, nv, drain_cnt, 0)
            plsc.subcore_barrier()
            pltpu.sync_copy(acc_c.at[pl.ds(sid * stripe, stripe)],
                            out_c.at[cid, pl.ds(sid * stripe, stripe)])

    return gather_k


def _make_scatter(e_pad, n_chunks, f, e_true):
    per_w = n_chunks * CHUNK
    pr_w = per_w * f // 128
    stripe = N // NS

    @functools.partial(
        pl.kernel,
        out_type=jax.ShapeDtypeStruct((NC, N, f), jnp.float32),
        mesh=_mesh(),
        scratch_types=[
            pltpu.VMEM((n_chunks, CHUNK), jnp.int32),
            pltpu.VMEM((per_w, f), jnp.float32),
            pltpu.VMEM_SHARED((N, f), jnp.float32),
            pltpu.SemaphoreType.DMA,
        ],
        compiler_params=_SC_PARAMS,
    )
    def scatter_k(msg, idx, zeros, out, idx_v, rows_v, acc, sem):
        cid = lax.axis_index("c")
        sid = lax.axis_index("s")
        wid = sid * NC + cid
        pltpu.sync_copy(zeros.at[pl.ds(sid * stripe, stripe)],
                        acc.at[pl.ds(sid * stripe, stripe)])
        pltpu.sync_copy(idx.at[wid], idx_v)
        pltpu.sync_copy(msg.at[pl.ds(wid * per_w, per_w)], rows_v)
        nv = _valid_chunks(wid, e_true, n_chunks)
        plsc.subcore_barrier()

        def fire(c, carry):
            pltpu.async_copy(rows_v.at[pl.ds(c * CHUNK, CHUNK)],
                             acc.at[idx_v.at[c]], sem, add=True)
            return carry

        lax.fori_loop(0, nv, fire, 0)

        def drain(c, carry):
            pltpu.make_async_copy(msg.at[pl.ds(0, CHUNK)],
                                  rows_v.at[pl.ds(0, CHUNK)], sem).wait()
            return carry

        lax.fori_loop(0, nv, drain, 0)

        plsc.subcore_barrier()
        pltpu.sync_copy(acc.at[pl.ds(sid * stripe, stripe)],
                        out.at[cid, pl.ds(sid * stripe, stripe)])

    return scatter_k


def _edge_mlp_body(ea_ref, xs_ref, we1_ref, be1_ref, we2_ref, be2_ref,
                   rep_ref, sel_ref, out_ref, *, b, in_c, out_c, hid):
    ea = ea_ref[...].astype(jnp.bfloat16)
    xs = xs_ref[...].astype(jnp.bfloat16)
    hw = jnp.maximum(
        jnp.dot(ea, we1_ref[...], preferred_element_type=jnp.float32)
        + be1_ref[...], 0.0)
    w = jnp.dot(hw.astype(jnp.bfloat16), we2_ref[...],
                preferred_element_type=jnp.float32) + be2_ref[...]
    xs_rep = jnp.dot(xs, rep_ref[...], preferred_element_type=jnp.float32)
    prod = (w * xs_rep).astype(jnp.bfloat16)
    out_ref[...] = jnp.dot(prod, sel_ref[...],
                           preferred_element_type=jnp.float32)


def _run_edge_mlp(ea, xs, we1, be1, we2, be2, in_c, out_c, hid, e_pad):
    b = 4096
    grid = -(-ea.shape[0] // b)
    ioc = in_c * out_c
    rep = jnp.repeat(jnp.eye(in_c, dtype=jnp.bfloat16), out_c, axis=1)
    sel = jnp.tile(jnp.eye(out_c, dtype=jnp.bfloat16), (in_c, 1))
    body = functools.partial(_edge_mlp_body, b=b, in_c=in_c, out_c=out_c,
                             hid=hid)
    return pl.pallas_call(
        body,
        grid=(grid,),
        in_specs=[
            pl.BlockSpec((b, in_c), lambda i: (i, 0)),
            pl.BlockSpec((b, in_c), lambda i: (i, 0)),
            pl.BlockSpec((in_c, hid), lambda i: (0, 0)),
            pl.BlockSpec((1, hid), lambda i: (0, 0)),
            pl.BlockSpec((hid, ioc), lambda i: (0, 0)),
            pl.BlockSpec((1, ioc), lambda i: (0, 0)),
            pl.BlockSpec((in_c, ioc), lambda i: (0, 0)),
            pl.BlockSpec((ioc, out_c), lambda i: (0, 0)),
        ],
        out_specs=pl.BlockSpec((b, out_c), lambda i: (i, 0)),
        out_shape=jax.ShapeDtypeStruct((e_pad, out_c), jnp.float32),
    )(ea, xs, we1.astype(jnp.bfloat16), be1.reshape(1, hid),
      we2.astype(jnp.bfloat16), be2.reshape(1, ioc), rep, sel)


def _node_body(s_ref, c_ref, x_ref, root8_ref, bias_ref, gm_ref, g_ref, b_ref,
               st_ref, h_ref, cnt_ref, out_ref, *, final):
    s = s_ref[0] + s_ref[1]
    if final:
        cnt = c_ref[...]
    else:
        cnt = c_ref[0] + c_ref[1]
    mean = s / jnp.maximum(cnt, 1.0)
    h = mean + jnp.dot(x_ref[...], root8_ref[...],
                       preferred_element_type=jnp.float32) + bias_ref[...]
    h = jnp.maximum(h, 0.0)
    gm = gm_ref[...]
    mu = jnp.dot(h, gm, preferred_element_type=jnp.float32)
    d = h - mu
    var = jnp.dot(d * d, gm, preferred_element_type=jnp.float32)
    h = d / jnp.sqrt(var + 1e-5) * g_ref[...] + b_ref[...]
    if final:
        colsum = jnp.sum(h, axis=0, keepdims=True)
        out_ref[...] = jnp.dot(colsum, st_ref[...],
                               preferred_element_type=jnp.float32) * (1.0 / N)
    else:
        h_ref[...] = h
        cnt_ref[...] = cnt


def _run_node(p, c, x128, root, bias, g, b, final):
    root8 = jnp.kron(jnp.eye(8, dtype=jnp.float32), root)
    gm = jnp.kron(jnp.eye(8, dtype=jnp.float32),
                  jnp.full((16, 16), 1.0 / 16, jnp.float32))
    st = jnp.tile(jnp.eye(16, dtype=jnp.float32), (8, 1))
    bias8 = jnp.tile(bias.reshape(1, 16), (1, 8))
    g8 = jnp.tile(g.reshape(1, 16), (1, 8))
    b8 = jnp.tile(b.reshape(1, 16), (1, 8))
    if final:
        outs = (jax.ShapeDtypeStruct((1, 1), jnp.float32),
                jax.ShapeDtypeStruct((1, 1), jnp.float32),
                jax.ShapeDtypeStruct((1, HIDDEN), jnp.float32))
    else:
        outs = (jax.ShapeDtypeStruct((NROW, 128), jnp.float32),
                jax.ShapeDtypeStruct((NROW, 128), jnp.float32),
                jax.ShapeDtypeStruct((1, 1), jnp.float32))
    body = functools.partial(_node_body, final=final)
    h, cnt, out = pl.pallas_call(body, out_shape=outs)(
        p, c, x128, root8, bias8, gm, g8, b8, st)
    return (out if final else (h, cnt))


def kernel(x, edge_index, edge_attr,
           l1_We1, l1_be1, l1_We2, l1_be2, l1_root, l1_bias, ln1_g, ln1_b,
           l2_We1, l2_be1, l2_We2, l2_be2, l2_root, l2_bias, ln2_g, ln2_b):
    e_true = edge_index.shape[1]
    per_w_raw = -(-e_true // NW)
    n_chunks = -(-per_w_raw // CHUNK)
    e_pad = NW * n_chunks * CHUNK

    pad = e_pad - e_true
    ei = jnp.pad(edge_index.astype(jnp.int32), ((0, 0), (0, pad)))
    src3 = ei[0].reshape(NW, n_chunks, CHUNK)
    dst3 = ei[1].reshape(NW, n_chunks, CHUNK)

    gather_cnt = _make_gather(e_pad, n_chunks, NODE_IN, e_true, True)
    gather16 = _make_gather(e_pad, n_chunks, NODE_IN, e_true, False)
    scatter16 = _make_scatter(e_pad, n_chunks, HIDDEN, e_true)
    zeros16 = jnp.zeros((N, HIDDEN), jnp.float32)
    ones16 = jnp.ones((CHUNK, HIDDEN), jnp.float32)

    xs1, c1 = gather_cnt(x, src3, dst3, zeros16, ones16)
    msg1 = _run_edge_mlp(edge_attr, xs1, l1_We1, l1_be1, l1_We2, l1_be2,
                         NODE_IN, HIDDEN, l1_We1.shape[1], e_pad)
    s1 = scatter16(msg1, dst3, zeros16)
    h1, cnt = _run_node(s1.reshape(NC, NROW, 128), c1.reshape(NC, NROW, 128),
                        x.reshape(NROW, 128), l1_root, l1_bias, ln1_g, ln1_b,
                        False)

    xs2 = gather16(h1.reshape(N, HIDDEN), src3)
    msg2 = _run_edge_mlp(edge_attr, xs2, l2_We1, l2_be1, l2_We2, l2_be2,
                         HIDDEN, HIDDEN, l2_We1.shape[1], e_pad)
    s2 = scatter16(msg2, dst3, zeros16)
    out = _run_node(s2.reshape(NC, NROW, 128), cnt, h1, l2_root, l2_bias,
                    ln2_g, ln2_b, True)
    return out

# --- scband reference (transcript-rebuilt; emitter-appended) ---
"""Pipeline reference for scband-edge-aware-gnn-31851477467868 (READ-ONLY COPY).

The authoritative reference and input builder live on the scoring server;
editing this copy changes nothing except your own understanding.
"""

import jax, jax.numpy as jnp
import numpy as np

N = 10000
E = 160000
NODE_IN = 16
EDGE_IN = 16
HIDDEN = 16


def _ln(h, g, b):
    mu = jnp.mean(h, axis=-1, keepdims=True)
    var = jnp.mean((h - mu) ** 2, axis=-1, keepdims=True)
    return (h - mu) / jnp.sqrt(var + 1e-5) * g + b


def _nnconv(x, src, dst, edge_attr, We1, be1, We2, be2, root, bias, in_c, out_c):
    # edge MLP produces a per-edge [in_c, out_c] weight matrix (PyG NNConv / ECConv)
    hw = jax.nn.relu(edge_attr @ We1 + be1)
    w = (hw @ We2 + be2).reshape(-1, in_c, out_c)
    # message: x_src transformed by per-edge weight, gathered by src
    msg = jnp.einsum('ei,eio->eo', x[src], w)
    # mean aggregation at dst (zeros for isolated nodes, count clamped to 1)
    s = jax.ops.segment_sum(msg, dst, num_segments=N)
    cnt = jax.ops.segment_sum(jnp.ones((msg.shape[0],), dtype=msg.dtype), dst, num_segments=N)
    mean = s / jnp.clip(cnt, 1.0, None)[:, None]
    # root weight + bias
    return mean + x @ root + bias


def setup_inputs():
    ks = jax.random.split(jax.random.key(0), 24)
    inp = {}
    inp['x'] = jax.random.normal(ks[0], (N, NODE_IN), dtype=jnp.float32)
    inp['edge_index'] = jax.random.randint(ks[1], (2, E), 0, N)
    inp['edge_attr'] = jax.random.normal(ks[2], (E, EDGE_IN), dtype=jnp.float32)
    # layer 1: edge_nn1 = Linear(16,64) -> ReLU -> Linear(64, 16*16); NNConv root + bias
    inp['l1_We1'] = jax.random.normal(ks[3], (EDGE_IN, 64), dtype=jnp.float32) * 0.1
    inp['l1_be1'] = jnp.zeros((64,), dtype=jnp.float32)
    inp['l1_We2'] = jax.random.normal(ks[4], (64, NODE_IN * HIDDEN), dtype=jnp.float32) * 0.05
    inp['l1_be2'] = jnp.zeros((NODE_IN * HIDDEN,), dtype=jnp.float32)
    inp['l1_root'] = jax.random.normal(ks[5], (NODE_IN, HIDDEN), dtype=jnp.float32) * 0.1
    inp['l1_bias'] = jnp.zeros((HIDDEN,), dtype=jnp.float32)
    inp['ln1_g'] = jnp.ones((HIDDEN,), dtype=jnp.float32)
    inp['ln1_b'] = jnp.zeros((HIDDEN,), dtype=jnp.float32)
    # layer 2: edge_nn = Linear(16,128) -> ReLU -> Linear(128, 16*16)
    inp['l2_We1'] = jax.random.normal(ks[6], (EDGE_IN, 128), dtype=jnp.float32) * 0.1
    inp['l2_be1'] = jnp.zeros((128,), dtype=jnp.float32)
    inp['l2_We2'] = jax.random.normal(ks[7], (128, HIDDEN * HIDDEN), dtype=jnp.float32) * 0.05
    inp['l2_be2'] = jnp.zeros((HIDDEN * HIDDEN,), dtype=jnp.float32)
    inp['l2_root'] = jax.random.normal(ks[8], (HIDDEN, HIDDEN), dtype=jnp.float32) * 0.1
    inp['l2_bias'] = jnp.zeros((HIDDEN,), dtype=jnp.float32)
    inp['ln2_g'] = jnp.ones((HIDDEN,), dtype=jnp.float32)
    inp['ln2_b'] = jnp.zeros((HIDDEN,), dtype=jnp.float32)
    return inp


def reference(x, edge_index, edge_attr, l1_We1, l1_be1, l1_We2, l1_be2, l1_root, l1_bias, ln1_g, ln1_b, l2_We1, l2_be1, l2_We2, l2_be2, l2_root, l2_bias, ln2_g, ln2_b):
    src = edge_index[0]
    dst = edge_index[1]
    h = _nnconv(x, src, dst, edge_attr, l1_We1, l1_be1, l1_We2, l1_be2, l1_root, l1_bias, NODE_IN, HIDDEN)
    h = jax.nn.relu(h)
    h = _ln(h, ln1_g, ln1_b)
    h = _nnconv(h, src, dst, edge_attr, l2_We1, l2_be1, l2_We2, l2_be2, l2_root, l2_bias, HIDDEN, HIDDEN)
    h = jax.nn.relu(h)
    h = _ln(h, ln2_g, ln2_b)
    # batch=None -> all nodes in one graph -> global mean pool gives [1, HIDDEN]
    g = jnp.mean(h, axis=0, keepdims=True)
    return g

if __name__ == "__main__":
    import jax
    _d = setup_inputs()
    print(jax.jit(kernel)(*tuple(_d.values())))

</pallas_src>

<mosaic_0001>
#map = affine_map<(d0, d1) -> (0, 0)>
#map1 = affine_map<(d0, d1) -> (0, 0, 0)>
module attributes {stable_mosaic.version = 14 : i64} {
  func.func @gather_k(%arg0: i32, %arg1: i32, %arg2: memref<10000x16xf32, #tpu.memory_space<hbm>>, %arg3: memref<32x40x128xi32, #tpu.memory_space<hbm>>, %arg4: memref<32x40x128xi32, #tpu.memory_space<hbm>>, %arg5: memref<10000x16xf32, #tpu.memory_space<hbm>>, %arg6: memref<128x16xf32, #tpu.memory_space<hbm>>, %arg7: memref<163840x16xf32, #tpu.memory_space<hbm>>, %arg8: memref<2x10000x16xf32, #tpu.memory_space<hbm>>, %arg9: memref<40x128xi32, #tpu.memory_space<vmem>>, %arg10: memref<40x128xi32, #tpu.memory_space<vmem>>, %arg11: memref<5120x16xf32, #tpu.memory_space<vmem>>, %arg12: memref<128x16xf32, #tpu.memory_space<vmem>>, %arg13: memref<10000x16xf32, #tpu.memory_space<vmem_shared>>, %arg14: memref<!tpu.dma_semaphore, #tpu.memory_space<semaphore_mem>>, %arg15: memref<!tpu.dma_semaphore, #tpu.memory_space<semaphore_mem>>) attributes {dimension_semantics = [#tpu.dimension_semantics<core_parallel>, #tpu.dimension_semantics<subcore_parallel>], iteration_bounds = array<i64: 2, 16>, scalar_prefetch = 0 : i64, scratch_operands = 7 : i64, tpu.core_type = #tpu.core_type<sc_vector_subcore>, window_params = [{transform_indices = #map}, {transform_indices = #map1}, {transform_indices = #map1}, {transform_indices = #map}, {transform_indices = #map}, {transform_indices = #map}, {transform_indices = #map1}]} {
    %mul3A = arith.constant 2 : i32
    %mul3A_0 = arith.muli %arg1, %mul3A : i32
    %add3A = arith.addi %mul3A_0, %arg0 : i32
    %mul3A_1 = arith.constant 5120 : i32
    %mul3A_2 = arith.muli %add3A, %mul3A_1 : i32
    %sub3A = arith.constant 160000 : i32
    %sub3A_3 = arith.subi %sub3A, %mul3A_2 : i32
    %jit3A = arith.constant 0 : i32
    %jit3A_4 = arith.constant 5120 : i32
    %max3A = arith.maxsi %jit3A, %sub3A_3 : i32
    %min3A = arith.minsi %jit3A_4, %max3A : i32
    %add3A_5 = arith.constant 128 : i32
    %add3A_6 = arith.addi %min3A, %add3A_5 : i32
    %sub3A_7 = arith.constant 1 : i32
    %sub3A_8 = arith.subi %add3A_6, %sub3A_7 : i32
    %jit3A_9 = arith.constant 128 : i32
    %div3A = arith.divsi %sub3A_8, %jit3A_9 : i32
    %sign3A = arith.constant 0 : i32
    %sign3A_10 = arith.cmpi sgt, %sub3A_8, %sign3A : i32
    %sign3A_11 = arith.extui %sign3A_10 : i1 to i32
    %sign3A_12 = arith.constant 0 : i32
    %sign3A_13 = arith.cmpi slt, %sub3A_8, %sign3A_12 : i32
    %sign3A_14 = arith.extui %sign3A_13 : i1 to i32
    %sign3A_15 = arith.subi %sign3A_11, %sign3A_14 : i32
    %sign3A_16 = arith.constant 0 : i32
    %sign3A_17 = arith.cmpi sgt, %jit3A_9, %sign3A_16 : i32
    %sign3A_18 = arith.extui %sign3A_17 : i1 to i32
    %sign3A_19 = arith.constant 0 : i32
    %sign3A_20 = arith.cmpi slt, %jit3A_9, %sign3A_19 : i32
    %sign3A_21 = arith.extui %sign3A_20 : i1 to i32
    %sign3A_22 = arith.subi %sign3A_18, %sign3A_21 : i32
    %ne3A = arith.cmpi ne, %sign3A_15, %sign3A_22 : i32
    %rem3A = arith.remsi %sub3A_8, %jit3A_9 : i32
    %ne3A_23 = arith.constant 0 : i32
    %ne3A_24 = arith.cmpi ne, %rem3A, %ne3A_23 : i32
    %and3A = arith.andi %ne3A, %ne3A_24 : i1
    %sub3A_25 = arith.constant 1 : i32
    %sub3A_26 = arith.subi %div3A, %sub3A_25 : i32
    %select_n3A = arith.select %and3A, %sub3A_26, %div3A : i32
    "tpu.region"() ({
      %run_scoped3A = tpu.sem_alloc : memref<!tpu.dma_semaphore, #tpu.memory_space<semaphore_mem>>
      %dma_start3A = arith.constant 0 : i32
      %dma_start3A_77 = arith.constant 0 : i32
      %dma_start3A_78 = tpu.memref_slice %arg3[%add3A, %dma_start3A, %dma_start3A_77] : memref<32x40x128xi32, #tpu.memory_space<hbm>> -> memref<1x40x128xi32, #tpu.memory_space<hbm>>
      %dma_start3A_79 = tpu.memref_squeeze %dma_start3A_78 : memref<1x40x128xi32, #tpu.memory_space<hbm>> -> memref<40x128xi32, #tpu.memory_space<hbm>>
      %dma_start3A_80 = arith.constant 0 : i32
      %dma_start3A_81 = arith.constant 0 : i32
      %dma_start3A_82 = tpu.memref_slice %arg3[%add3A, %dma_start3A_80, %dma_start3A_81] : memref<32x40x128xi32, #tpu.memory_space<hbm>> -> memref<1x40x128xi32, #tpu.memory_space<hbm>>
      %dma_start3A_83 = tpu.memref_squeeze %dma_start3A_82 : memref<1x40x128xi32, #tpu.memory_space<hbm>> -> memref<40x128xi32, #tpu.memory_space<hbm>>
      tpu.enqueue_dma source(%dma_start3A_83 : memref<40x128xi32, #tpu.memory_space<hbm>>) target(%arg9 : memref<40x128xi32, #tpu.memory_space<vmem>>) target_semaphore(%run_scoped3A : memref<!tpu.dma_semaphore, #tpu.memory_space<semaphore_mem>>)
      %dma_wait3A = arith.constant 0 : i32
      %dma_wait3A_84 = arith.constant 0 : i32
      %dma_wait3A_85 = tpu.memref_slice %arg3[%add3A, %dma_wait3A, %dma_wait3A_84] : memref<32x40x128xi32, #tpu.memory_space<hbm>> -> memref<1x40x128xi32, #tpu.memory_space<hbm>>
      %dma_wait3A_86 = tpu.memref_squeeze %dma_wait3A_85 : memref<1x40x128xi32, #tpu.memory_space<hbm>> -> memref<40x128xi32, #tpu.memory_space<hbm>>
      %dma_wait3A_87 = arith.constant 0 : i32
      %dma_wait3A_88 = arith.constant 0 : i32
      %dma_wait3A_89 = tpu.memref_slice %arg3[%add3A, %dma_wait3A_87, %dma_wait3A_88] : memref<32x40x128xi32, #tpu.memory_space<hbm>> -> memref<1x40x128xi32, #tpu.memory_space<hbm>>
      %dma_wait3A_90 = tpu.memref_squeeze %dma_wait3A_89 : memref<1x40x128xi32, #tpu.memory_space<hbm>> -> memref<40x128xi32, #tpu.memory_space<hbm>>
      tpu.wait_dma2 semaphore(%run_scoped3A : memref<!tpu.dma_semaphore, #tpu.memory_space<semaphore_mem>>) src(%dma_wait3A_90 : memref<40x128xi32, #tpu.memory_space<hbm>>) dst(%arg9 : memref<40x128xi32, #tpu.memory_space<vmem>>)
      tpu.yield
    }) : () -> ()
    %mul3A_27 = arith.constant 625 : i32
    %mul3A_28 = arith.muli %arg1, %mul3A_27 : i32
    %mul3A_29 = arith.constant 625 : i32
    %mul3A_30 = arith.muli %arg1, %mul3A_29 : i32
    "tpu.region"() ({
      %run_scoped3A = tpu.sem_alloc : memref<!tpu.dma_semaphore, #tpu.memory_space<semaphore_mem>>
      %dma_start3A = arith.constant 0 : i32
      %dma_start3A_77 = tpu.memref_slice %arg13[%mul3A_30, %dma_start3A] : memref<10000x16xf32, #tpu.memory_space<vmem_shared>> -> memref<625x16xf32, #tpu.memory_space<vmem_shared>>
      %dma_start3A_78 = arith.constant 0 : i32
      %dma_start3A_79 = tpu.memref_slice %arg5[%mul3A_28, %dma_start3A_78] : memref<10000x16xf32, #tpu.memory_space<hbm>> -> memref<625x16xf32, #tpu.memory_space<hbm>>
      tpu.enqueue_dma source(%dma_start3A_79 : memref<625x16xf32, #tpu.memory_space<hbm>>) target(%dma_start3A_77 : memref<625x16xf32, #tpu.memory_space<vmem_shared>>) target_semaphore(%run_scoped3A : memref<!tpu.dma_semaphore, #tpu.memory_space<semaphore_mem>>)
      %dma_wait3A = arith.constant 0 : i32
      %dma_wait3A_80 = tpu.memref_slice %arg13[%mul3A_30, %dma_wait3A] : memref<10000x16xf32, #tpu.memory_space<vmem_shared>> -> memref<625x16xf32, #tpu.memory_space<vmem_shared>>
      %dma_wait3A_81 = arith.constant 0 : i32
      %dma_wait3A_82 = tpu.memref_slice %arg5[%mul3A_28, %dma_wait3A_81] : memref<10000x16xf32, #tpu.memory_space<hbm>> -> memref<625x16xf32, #tpu.memory_space<hbm>>
      tpu.wait_dma2 semaphore(%run_scoped3A : memref<!tpu.dma_semaphore, #tpu.memory_space<semaphore_mem>>) src(%dma_wait3A_82 : memref<625x16xf32, #tpu.memory_space<hbm>>) dst(%dma_wait3A_80 : memref<625x16xf32, #tpu.memory_space<vmem_shared>>)
      tpu.yield
    }) : () -> ()
    "tpu.region"() ({
      %run_scoped3A = tpu.sem_alloc : memref<!tpu.dma_semaphore, #tpu.memory_space<semaphore_mem>>
      %dma_start3A = arith.constant 0 : i32
      %dma_start3A_77 = arith.constant 0 : i32
      %dma_start3A_78 = tpu.memref_slice %arg4[%add3A, %dma_start3A, %dma_start3A_77] : memref<32x40x128xi32, #tpu.memory_space<hbm>> -> memref<1x40x128xi32, #tpu.memory_space<hbm>>
      %dma_start3A_79 = tpu.memref_squeeze %dma_start3A_78 : memref<1x40x128xi32, #tpu.memory_space<hbm>> -> memref<40x128xi32, #tpu.memory_space<hbm>>
      %dma_start3A_80 = arith.constant 0 : i32
      %dma_start3A_81 = arith.constant 0 : i32
      %dma_start3A_82 = tpu.memref_slice %arg4[%add3A, %dma_start3A_80, %dma_start3A_81] : memref<32x40x128xi32, #tpu.memory_space<hbm>> -> memref<1x40x128xi32, #tpu.memory_space<hbm>>
      %dma_start3A_83 = tpu.memref_squeeze %dma_start3A_82 : memref<1x40x128xi32, #tpu.memory_space<hbm>> -> memref<40x128xi32, #tpu.memory_space<hbm>>
      tpu.enqueue_dma source(%dma_start3A_83 : memref<40x128xi32, #tpu.memory_space<hbm>>) target(%arg10 : memref<40x128xi32, #tpu.memory_space<vmem>>) target_semaphore(%run_scoped3A : memref<!tpu.dma_semaphore, #tpu.memory_space<semaphore_mem>>)
      %dma_wait3A = arith.constant 0 : i32
      %dma_wait3A_84 = arith.constant 0 : i32
      %dma_wait3A_85 = tpu.memref_slice %arg4[%add3A, %dma_wait3A, %dma_wait3A_84] : memref<32x40x128xi32, #tpu.memory_space<hbm>> -> memref<1x40x128xi32, #tpu.memory_space<hbm>>
      %dma_wait3A_86 = tpu.memref_squeeze %dma_wait3A_85 : memref<1x40x128xi32, #tpu.memory_space<hbm>> -> memref<40x128xi32, #tpu.memory_space<hbm>>
      %dma_wait3A_87 = arith.constant 0 : i32
      %dma_wait3A_88 = arith.constant 0 : i32
      %dma_wait3A_89 = tpu.memref_slice %arg4[%add3A, %dma_wait3A_87, %dma_wait3A_88] : memref<32x40x128xi32, #tpu.memory_space<hbm>> -> memref<1x40x128xi32, #tpu.memory_space<hbm>>
      %dma_wait3A_90 = tpu.memref_squeeze %dma_wait3A_89 : memref<1x40x128xi32, #tpu.memory_space<hbm>> -> memref<40x128xi32, #tpu.memory_space<hbm>>
      tpu.wait_dma2 semaphore(%run_scoped3A : memref<!tpu.dma_semaphore, #tpu.memory_space<semaphore_mem>>) src(%dma_wait3A_90 : memref<40x128xi32, #tpu.memory_space<hbm>>) dst(%arg10 : memref<40x128xi32, #tpu.memory_space<vmem>>)
      tpu.yield
    }) : () -> ()
    "tpu.region"() ({
      %run_scoped3A = tpu.sem_alloc : memref<!tpu.dma_semaphore, #tpu.memory_space<semaphore_mem>>
      tpu.enqueue_dma source(%arg6 : memref<128x16xf32, #tpu.memory_space<hbm>>) target(%arg12 : memref<128x16xf32, #tpu.memory_space<vmem>>) target_semaphore(%run_scoped3A : memref<!tpu.dma_semaphore, #tpu.memory_space<semaphore_mem>>)
      tpu.wait_dma2 semaphore(%run_scoped3A : memref<!tpu.dma_semaphore, #tpu.memory_space<semaphore_mem>>) src(%arg6 : memref<128x16xf32, #tpu.memory_space<hbm>>) dst(%arg12 : memref<128x16xf32, #tpu.memory_space<vmem>>)
      tpu.yield
    }) : () -> ()
    %barrier3A = arith.constant 0 : index
    tpu.barrier barrier_id(%barrier3A)
    %while3A = arith.constant 0 : i32
    %while3A_31 = arith.constant 0 : i32
    %while3A_32 = arith.subi %select_n3A, %while3A_31 : i32
    %while3A_33 = arith.addi %while3A_31, %while3A_32 : i32
    %while3A_34 = arith.constant 1 : i32
    %while3A_35 = arith.divsi %while3A_32, %while3A_34 : i32
    %while3A_36 = arith.muli %while3A_35, %while3A_34 : i32
    %while3A_37 = arith.addi %while3A_31, %while3A_36 : i32
    %while3A_38 = arith.constant 1 : i32
    scf.for %while3A_77 = %while3A_31 to %while3A_37 step %while3A_38  : i32 {
      %dma_start3A = arith.constant 0 : i32
      %dma_start3A_78 = tpu.memref_slice %arg10[%while3A_77, %dma_start3A] : memref<40x128xi32, #tpu.memory_space<vmem>> -> memref<1x128xi32, #tpu.memory_space<vmem>>
      %dma_start3A_79 = tpu.memref_squeeze %dma_start3A_78 : memref<1x128xi32, #tpu.memory_space<vmem>> -> memref<128xi32, #tpu.memory_space<vmem>>
      %dma_start3A_80 = arith.constant 0 : i32
      %dma_start3A_81 = arith.constant 0 : i32
      %dma_start3A_82 = tpu.memref_slice %arg13[%dma_start3A_80, %dma_start3A_81] : memref<10000x16xf32, #tpu.memory_space<vmem_shared>> -> memref<10000x16xf32, #tpu.memory_space<vmem_shared>>
      tpu.enqueue_indirect_dma source(%arg12 : memref<128x16xf32, #tpu.memory_space<vmem>>) target(%dma_start3A_82 : memref<10000x16xf32, #tpu.memory_space<vmem_shared>>) offsets(%dma_start3A_79 : memref<128xi32, #tpu.memory_space<vmem>>) semaphore(%arg15 : memref<!tpu.dma_semaphore, #tpu.memory_space<semaphore_mem>>) {add = true}
    }
    %while3A_39 = arith.constant 1 : i32
    scf.for %while3A_77 = %while3A_37 to %while3A_33 step %while3A_39  : i32 {
      %dma_start3A = arith.constant 0 : i32
      %dma_start3A_78 = tpu.memref_slice %arg10[%while3A_77, %dma_start3A] : memref<40x128xi32, #tpu.memory_space<vmem>> -> memref<1x128xi32, #tpu.memory_space<vmem>>
      %dma_start3A_79 = tpu.memref_squeeze %dma_start3A_78 : memref<1x128xi32, #tpu.memory_space<vmem>> -> memref<128xi32, #tpu.memory_space<vmem>>
      %dma_start3A_80 = arith.constant 0 : i32
      %dma_start3A_81 = arith.constant 0 : i32
      %dma_start3A_82 = tpu.memref_slice %arg13[%dma_start3A_80, %dma_start3A_81] : memref<10000x16xf32, #tpu.memory_space<vmem_shared>> -> memref<10000x16xf32, #tpu.memory_space<vmem_shared>>
      tpu.enqueue_indirect_dma source(%arg12 : memref<128x16xf32, #tpu.memory_space<vmem>>) target(%dma_start3A_82 : memref<10000x16xf32, #tpu.memory_space<vmem_shared>>) offsets(%dma_start3A_79 : memref<128xi32, #tpu.memory_space<vmem>>) semaphore(%arg15 : memref<!tpu.dma_semaphore, #tpu.memory_space<semaphore_mem>>) {add = true}
    }
    %while3A_40 = arith.constant 0 : i32
    %while3A_41 = arith.constant 0 : i32
    %while3A_42 = arith.subi %select_n3A, %while3A_41 : i32
    %while3A_43 = arith.addi %while3A_41, %while3A_42 : i32
    %while3A_44 = arith.constant 1 : i32
    %while3A_45 = arith.divsi %while3A_42, %while3A_44 : i32
    %while3A_46 = arith.muli %while3A_45, %while3A_44 : i32
    %while3A_47 = arith.addi %while3A_41, %while3A_46 : i32
    %while3A_48 = arith.constant 1 : i32
    scf.for %while3A_77 = %while3A_41 to %while3A_47 step %while3A_48  : i32 {
      %mul3A_78 = arith.constant 128 : i32
      %mul3A_79 = arith.muli %while3A_77, %mul3A_78 : i32
      %dma_start3A = arith.constant 0 : i32
      %dma_start3A_80 = tpu.memref_slice %arg11[%mul3A_79, %dma_start3A] : memref<5120x16xf32, #tpu.memory_space<vmem>> -> memref<128x16xf32, #tpu.memory_space<vmem>>
      %dma_start3A_81 = arith.constant 0 : i32
      %dma_start3A_82 = tpu.memref_slice %arg9[%while3A_77, %dma_start3A_81] : memref<40x128xi32, #tpu.memory_space<vmem>> -> memref<1x128xi32, #tpu.memory_space<vmem>>
      %dma_start3A_83 = tpu.memref_squeeze %dma_start3A_82 : memref<1x128xi32, #tpu.memory_space<vmem>> -> memref<128xi32, #tpu.memory_space<vmem>>
      %dma_start3A_84 = arith.constant 0 : i32
      %dma_start3A_85 = arith.constant 0 : i32
      %dma_start3A_86 = tpu.memref_slice %arg2[%dma_start3A_84, %dma_start3A_85] : memref<10000x16xf32, #tpu.memory_space<hbm>> -> memref<10000x16xf32, #tpu.memory_space<hbm>>
      tpu.enqueue_indirect_dma source(%dma_start3A_86 : memref<10000x16xf32, #tpu.memory_space<hbm>>) target(%dma_start3A_80 : memref<128x16xf32, #tpu.memory_space<vmem>>) offsets(%dma_start3A_83 : memref<128xi32, #tpu.memory_space<vmem>>) semaphore(%arg14 : memref<!tpu.dma_semaphore, #tpu.memory_space<semaphore_mem>>)
    }
    %while3A_49 = arith.constant 1 : i32
    scf.for %while3A_77 = %while3A_47 to %while3A_43 step %while3A_49  : i32 {
      %mul3A_78 = arith.constant 128 : i32
      %mul3A_79 = arith.muli %while3A_77, %mul3A_78 : i32
      %dma_start3A = arith.constant 0 : i32
      %dma_start3A_80 = tpu.memref_slice %arg11[%mul3A_79, %dma_start3A] : memref<5120x16xf32, #tpu.memory_space<vmem>> -> memref<128x16xf32, #tpu.memory_space<vmem>>
      %dma_start3A_81 = arith.constant 0 : i32
      %dma_start3A_82 = tpu.memref_slice %arg9[%while3A_77, %dma_start3A_81] : memref<40x128xi32, #tpu.memory_space<vmem>> -> memref<1x128xi32, #tpu.memory_space<vmem>>
      %dma_start3A_83 = tpu.memref_squeeze %dma_start3A_82 : memref<1x128xi32, #tpu.memory_space<vmem>> -> memref<128xi32, #tpu.memory_space<vmem>>
      %dma_start3A_84 = arith.constant 0 : i32
      %dma_start3A_85 = arith.constant 0 : i32
      %dma_start3A_86 = tpu.memref_slice %arg2[%dma_start3A_84, %dma_start3A_85] : memref<10000x16xf32, #tpu.memory_space<hbm>> -> memref<10000x16xf32, #tpu.memory_space<hbm>>
      tpu.enqueue_indirect_dma source(%dma_start3A_86 : memref<10000x16xf32, #tpu.memory_space<hbm>>) target(%dma_start3A_80 : memref<128x16xf32, #tpu.memory_space<vmem>>) offsets(%dma_start3A_83 : memref<128xi32, #tpu.memory_space<vmem>>) semaphore(%arg14 : memref<!tpu.dma_semaphore, #tpu.memory_space<semaphore_mem>>)
    }
    %while3A_50 = arith.constant 0 : i32
    %while3A_51 = arith.constant 0 : i32
    %while3A_52 = arith.subi %select_n3A, %while3A_51 : i32
    %while3A_53 = arith.addi %while3A_51, %while3A_52 : i32
    %while3A_54 = arith.constant 1 : i32
    %while3A_55 = arith.divsi %while3A_52, %while3A_54 : i32
    %while3A_56 = arith.muli %while3A_55, %while3A_54 : i32
    %while3A_57 = arith.addi %while3A_51, %while3A_56 : i32
    %while3A_58 = arith.constant 1 : i32
    scf.for %while3A_77 = %while3A_51 to %while3A_57 step %while3A_58  : i32 {
      %dma_wait3A = arith.constant 0 : i32
      %dma_wait3A_78 = arith.constant 0 : i32
      %dma_wait3A_79 = tpu.memref_slice %arg11[%dma_wait3A, %dma_wait3A_78] : memref<5120x16xf32, #tpu.memory_space<vmem>> -> memref<128x16xf32, #tpu.memory_space<vmem>>
      %dma_wait3A_80 = arith.constant 0 : i32
      %dma_wait3A_81 = arith.constant 0 : i32
      %dma_wait3A_82 = tpu.memref_slice %arg7[%dma_wait3A_80, %dma_wait3A_81] : memref<163840x16xf32, #tpu.memory_space<hbm>> -> memref<128x16xf32, #tpu.memory_space<hbm>>
      %dma_wait3A_83 = arith.constant 0 : i32
      %dma_wait3A_84 = arith.constant 0 : i32
      %dma_wait3A_85 = tpu.memref_slice %arg11[%dma_wait3A_83, %dma_wait3A_84] : memref<5120x16xf32, #tpu.memory_space<vmem>> -> memref<128x16xf32, #tpu.memory_space<vmem>>
      %dma_wait3A_86 = arith.constant 0 : i32
      %dma_wait3A_87 = arith.constant 0 : i32
      %dma_wait3A_88 = tpu.memref_slice %arg7[%dma_wait3A_86, %dma_wait3A_87] : memref<163840x16xf32, #tpu.memory_space<hbm>> -> memref<128x16xf32, #tpu.memory_space<hbm>>
      tpu.wait_dma2 semaphore(%arg14 : memref<!tpu.dma_semaphore, #tpu.memory_space<semaphore_mem>>) src(%dma_wait3A_88 : memref<128x16xf32, #tpu.memory_space<hbm>>) dst(%dma_wait3A_85 : memref<128x16xf32, #tpu.memory_space<vmem>>)
    }
    %while3A_59 = arith.constant 1 : i32
    scf.for %while3A_77 = %while3A_57 to %while3A_53 step %while3A_59  : i32 {
      %dma_wait3A = arith.constant 0 : i32
      %dma_wait3A_78 = arith.constant 0 : i32
      %dma_wait3A_79 = tpu.memref_slice %arg11[%dma_wait3A, %dma_wait3A_78] : memref<5120x16xf32, #tpu.memory_space<vmem>> -> memref<128x16xf32, #tpu.memory_space<vmem>>
      %dma_wait3A_80 = arith.constant 0 : i32
      %dma_wait3A_81 = arith.constant 0 : i32
      %dma_wait3A_82 = tpu.memref_slice %arg7[%dma_wait3A_80, %dma_wait3A_81] : memref<163840x16xf32, #tpu.memory_space<hbm>> -> memref<128x16xf32, #tpu.memory_space<hbm>>
      %dma_wait3A_83 = arith.constant 0 : i32
      %dma_wait3A_84 = arith.constant 0 : i32
      %dma_wait3A_85 = tpu.memref_slice %arg11[%dma_wait3A_83, %dma_wait3A_84] : memref<5120x16xf32, #tpu.memory_space<vmem>> -> memref<128x16xf32, #tpu.memory_space<vmem>>
      %dma_wait3A_86 = arith.constant 0 : i32
      %dma_wait3A_87 = arith.constant 0 : i32
      %dma_wait3A_88 = tpu.memref_slice %arg7[%dma_wait3A_86, %dma_wait3A_87] : memref<163840x16xf32, #tpu.memory_space<hbm>> -> memref<128x16xf32, #tpu.memory_space<hbm>>
      tpu.wait_dma2 semaphore(%arg14 : memref<!tpu.dma_semaphore, #tpu.memory_space<semaphore_mem>>) src(%dma_wait3A_88 : memref<128x16xf32, #tpu.memory_space<hbm>>) dst(%dma_wait3A_85 : memref<128x16xf32, #tpu.memory_space<vmem>>)
    }
    %mul3A_60 = arith.constant 5120 : i32
    %mul3A_61 = arith.muli %add3A, %mul3A_60 : i32
    "tpu.region"() ({
      %run_scoped3A = tpu.sem_alloc : memref<!tpu.dma_semaphore, #tpu.memory_space<semaphore_mem>>
      %dma_start3A = arith.constant 0 : i32
      %dma_start3A_77 = tpu.memref_slice %arg7[%mul3A_61, %dma_start3A] : memref<163840x16xf32, #tpu.memory_space<hbm>> -> memref<5120x16xf32, #tpu.memory_space<hbm>>
      %dma_start3A_78 = arith.constant 0 : i32
      %dma_start3A_79 = tpu.memref_slice %arg7[%mul3A_61, %dma_start3A_78] : memref<163840x16xf32, #tpu.memory_space<hbm>> -> memref<5120x16xf32, #tpu.memory_space<hbm>>
      tpu.enqueue_dma source(%arg11 : memref<5120x16xf32, #tpu.memory_space<vmem>>) target(%dma_start3A_79 : memref<5120x16xf32, #tpu.memory_space<hbm>>) target_semaphore(%run_scoped3A : memref<!tpu.dma_semaphore, #tpu.memory_space<semaphore_mem>>)
      %dma_wait3A = arith.constant 0 : i32
      %dma_wait3A_80 = tpu.memref_slice %arg7[%mul3A_61, %dma_wait3A] : memref<163840x16xf32, #tpu.memory_space<hbm>> -> memref<5120x16xf32, #tpu.memory_space<hbm>>
      %dma_wait3A_81 = arith.constant 0 : i32
      %dma_wait3A_82 = tpu.memref_slice %arg7[%mul3A_61, %dma_wait3A_81] : memref<163840x16xf32, #tpu.memory_space<hbm>> -> memref<5120x16xf32, #tpu.memory_space<hbm>>
      tpu.wait_dma2 semaphore(%run_scoped3A : memref<!tpu.dma_semaphore, #tpu.memory_space<semaphore_mem>>) src(%arg11 : memref<5120x16xf32, #tpu.memory_space<vmem>>) dst(%dma_wait3A_82 : memref<5120x16xf32, #tpu.memory_space<hbm>>)
      tpu.yield
    }) : () -> ()
    %while3A_62 = arith.constant 0 : i32
    %while3A_63 = arith.constant 0 : i32
    %while3A_64 = arith.subi %select_n3A, %while3A_63 : i32
    %while3A_65 = arith.addi %while3A_63, %while3A_64 : i32
    %while3A_66 = arith.constant 1 : i32
    %while3A_67 = arith.divsi %while3A_64, %while3A_66 : i32
    %while3A_68 = arith.muli %while3A_67, %while3A_66 : i32
    %while3A_69 = arith.addi %while3A_63, %while3A_68 : i32
    %while3A_70 = arith.constant 1 : i32
    scf.for %while3A_77 = %while3A_63 to %while3A_69 step %while3A_70  : i32 {
      tpu.wait_dma2 semaphore(%arg15 : memref<!tpu.dma_semaphore, #tpu.memory_space<semaphore_mem>>) src(%arg6 : memref<128x16xf32, #tpu.memory_space<hbm>>) dst(%arg12 : memref<128x16xf32, #tpu.memory_space<vmem>>)
    }
    %while3A_71 = arith.constant 1 : i32
    scf.for %while3A_77 = %while3A_69 to %while3A_65 step %while3A_71  : i32 {
      tpu.wait_dma2 semaphore(%arg15 : memref<!tpu.dma_semaphore, #tpu.memory_space<semaphore_mem>>) src(%arg6 : memref<128x16xf32, #tpu.memory_space<hbm>>) dst(%arg12 : memref<128x16xf32, #tpu.memory_space<vmem>>)
    }
    %barrier3A_72 = arith.constant 0 : index
    tpu.barrier barrier_id(%barrier3A_72)
    %mul3A_73 = arith.constant 625 : i32
    %mul3A_74 = arith.muli %arg1, %mul3A_73 : i32
    %mul3A_75 = arith.constant 625 : i32
    %mul3A_76 = arith.muli %arg1, %mul3A_75 : i32
    "tpu.region"() ({
      %run_scoped3A = tpu.sem_alloc : memref<!tpu.dma_semaphore, #tpu.memory_space<semaphore_mem>>
      %dma_start3A = arith.constant 0 : i32
      %dma_start3A_77 = tpu.memref_slice %arg8[%arg0, %mul3A_76, %dma_start3A] : memref<2x10000x16xf32, #tpu.memory_space<hbm>> -> memref<1x625x16xf32, #tpu.memory_space<hbm>>
      %dma_start3A_78 = tpu.memref_squeeze %dma_start3A_77 : memref<1x625x16xf32, #tpu.memory_space<hbm>> -> memref<625x16xf32, #tpu.memory_space<hbm>>
      %dma_start3A_79 = arith.constant 0 : i32
      %dma_start3A_80 = tpu.memref_slice %arg13[%mul3A_74, %dma_start3A_79] : memref<10000x16xf32, #tpu.memory_space<vmem_shared>> -> memref<625x16xf32, #tpu.memory_space<vmem_shared>>
      tpu.enqueue_dma source(%dma_start3A_80 : memref<625x16xf32, #tpu.memory_space<vmem_shared>>) target(%dma_start3A_78 : memref<625x16xf32, #tpu.memory_space<hbm>>) target_semaphore(%run_scoped3A : memref<!tpu.dma_semaphore, #tpu.memory_space<semaphore_mem>>)
      %dma_wait3A = arith.constant 0 : i32
      %dma_wait3A_81 = tpu.memref_slice %arg8[%arg0, %mul3A_76, %dma_wait3A] : memref<2x10000x16xf32, #tpu.memory_space<hbm>> -> memref<1x625x16xf32, #tpu.memory_space<hbm>>
      %dma_wait3A_82 = tpu.memref_squeeze %dma_wait3A_81 : memref<1x625x16xf32, #tpu.memory_space<hbm>> -> memref<625x16xf32, #tpu.memory_space<hbm>>
      %dma_wait3A_83 = arith.constant 0 : i32
      %dma_wait3A_84 = tpu.memref_slice %arg13[%mul3A_74, %dma_wait3A_83] : memref<10000x16xf32, #tpu.memory_space<vmem_shared>> -> memref<625x16xf32, #tpu.memory_space<vmem_shared>>
      tpu.wait_dma2 semaphore(%run_scoped3A : memref<!tpu.dma_semaphore, #tpu.memory_space<semaphore_mem>>) src(%dma_wait3A_84 : memref<625x16xf32, #tpu.memory_space<vmem_shared>>) dst(%dma_wait3A_82 : memref<625x16xf32, #tpu.memory_space<hbm>>)
      tpu.yield
    }) : () -> ()
    return
  }
}

#map = affine_map<(d0, d1) -> (0, 0)>
#map1 = affine_map<(d0, d1) -> (0, 0, 0)>
module attributes {stable_mosaic.version = 14 : i64} {
  func.func @gather_k(%arg0: i32, %arg1: i32, %arg2: memref<10000x16xf32, #tpu.memory_space<hbm>>, %arg3: memref<32x40x128xi32, #tpu.memory_space<hbm>>, %arg4: memref<163840x16xf32, #tpu.memory_space<hbm>>, %arg5: memref<40x128xi32, #tpu.memory_space<vmem>>, %arg6: memref<5120x16xf32, #tpu.memory_space<vmem>>, %arg7: memref<!tpu.dma_semaphore, #tpu.memory_space<semaphore_mem>>) attributes {dimension_semantics = [#tpu.dimension_semantics<core_parallel>, #tpu.dimension_semantics<subcore_parallel>], iteration_bounds = array<i64: 2, 16>, scalar_prefetch = 0 : i64, scratch_operands = 3 : i64, tpu.core_type = #tpu.core_type<sc_vector_subcore>, window_params = [{transform_indices = #map}, {transform_indices = #map1}, {transform_indices = #map}]} {
    %mul3A = arith.constant 2 : i32
    %mul3A_0 = arith.muli %arg1, %mul3A : i32
    %add3A = arith.addi %mul3A_0, %arg0 : i32
    %mul3A_1 = arith.constant 5120 : i32
    %mul3A_2 = arith.muli %add3A, %mul3A_1 : i32
    %sub3A = arith.constant 160000 : i32
    %sub3A_3 = arith.subi %sub3A, %mul3A_2 : i32
    %jit3A = arith.constant 0 : i32
    %jit3A_4 = arith.constant 5120 : i32
    %max3A = arith.maxsi %jit3A, %sub3A_3 : i32
    %min3A = arith.minsi %jit3A_4, %max3A : i32
    %add3A_5 = arith.constant 128 : i32
    %add3A_6 = arith.addi %min3A, %add3A_5 : i32
    %sub3A_7 = arith.constant 1 : i32
    %sub3A_8 = arith.subi %add3A_6, %sub3A_7 : i32
    %jit3A_9 = arith.constant 128 : i32
    %div3A = arith.divsi %sub3A_8, %jit3A_9 : i32
    %sign3A = arith.constant 0 : i32
    %sign3A_10 = arith.cmpi sgt, %sub3A_8, %sign3A : i32
    %sign3A_11 = arith.extui %sign3A_10 : i1 to i32
    %sign3A_12 = arith.constant 0 : i32
    %sign3A_13 = arith.cmpi slt, %sub3A_8, %sign3A_12 : i32
    %sign3A_14 = arith.extui %sign3A_13 : i1 to i32
    %sign3A_15 = arith.subi %sign3A_11, %sign3A_14 : i32
    %sign3A_16 = arith.constant 0 : i32
    %sign3A_17 = arith.cmpi sgt, %jit3A_9, %sign3A_16 : i32
    %sign3A_18 = arith.extui %sign3A_17 : i1 to i32
    %sign3A_19 = arith.constant 0 : i32
    %sign3A_20 = arith.cmpi slt, %jit3A_9, %sign3A_19 : i32
    %sign3A_21 = arith.extui %sign3A_20 : i1 to i32
    %sign3A_22 = arith.subi %sign3A_18, %sign3A_21 : i32
    %ne3A = arith.cmpi ne, %sign3A_15, %sign3A_22 : i32
    %rem3A = arith.remsi %sub3A_8, %jit3A_9 : i32
    %ne3A_23 = arith.constant 0 : i32
    %ne3A_24 = arith.cmpi ne, %rem3A, %ne3A_23 : i32
    %and3A = arith.andi %ne3A, %ne3A_24 : i1
    %sub3A_25 = arith.constant 1 : i32
    %sub3A_26 = arith.subi %div3A, %sub3A_25 : i32
    %select_n3A = arith.select %and3A, %sub3A_26, %div3A : i32
    "tpu.region"() ({
      %run_scoped3A = tpu.sem_alloc : memref<!tpu.dma_semaphore, #tpu.memory_space<semaphore_mem>>
      %dma_start3A = arith.constant 0 : i32
      %dma_start3A_48 = arith.constant 0 : i32
      %dma_start3A_49 = tpu.memref_slice %arg3[%add3A, %dma_start3A, %dma_start3A_48] : memref<32x40x128xi32, #tpu.memory_space<hbm>> -> memref<1x40x128xi32, #tpu.memory_space<hbm>>
      %dma_start3A_50 = tpu.memref_squeeze %dma_start3A_49 : memref<1x40x128xi32, #tpu.memory_space<hbm>> -> memref<40x128xi32, #tpu.memory_space<hbm>>
      %dma_start3A_51 = arith.constant 0 : i32
      %dma_start3A_52 = arith.constant 0 : i32
      %dma_start3A_53 = tpu.memref_slice %arg3[%add3A, %dma_start3A_51, %dma_start3A_52] : memref<32x40x128xi32, #tpu.memory_space<hbm>> -> memref<1x40x128xi32, #tpu.memory_space<hbm>>
      %dma_start3A_54 = tpu.memref_squeeze %dma_start3A_53 : memref<1x40x128xi32, #tpu.memory_space<hbm>> -> memref<40x128xi32, #tpu.memory_space<hbm>>
      tpu.enqueue_dma source(%dma_start3A_54 : memref<40x128xi32, #tpu.memory_space<hbm>>) target(%arg5 : memref<40x128xi32, #tpu.memory_space<vmem>>) target_semaphore(%run_scoped3A : memref<!tpu.dma_semaphore, #tpu.memory_space<semaphore_mem>>)
      %dma_wait3A = arith.constant 0 : i32
      %dma_wait3A_55 = arith.constant 0 : i32
      %dma_wait3A_56 = tpu.memref_slice %arg3[%add3A, %dma_wait3A, %dma_wait3A_55] : memref<32x40x128xi32, #tpu.memory_space<hbm>> -> memref<1x40x128xi32, #tpu.memory_space<hbm>>
      %dma_wait3A_57 = tpu.memref_squeeze %dma_wait3A_56 : memref<1x40x128xi32, #tpu.memory_space<hbm>> -> memref<40x128xi32, #tpu.memory_space<hbm>>
      %dma_wait3A_58 = arith.constant 0 : i32
      %dma_wait3A_59 = arith.constant 0 : i32
      %dma_wait3A_60 = tpu.memref_slice %arg3[%add3A, %dma_wait3A_58, %dma_wait3A_59] : memref<32x40x128xi32, #tpu.memory_space<hbm>> -> memref<1x40x128xi32, #tpu.memory_space<hbm>>
      %dma_wait3A_61 = tpu.memref_squeeze %dma_wait3A_60 : memref<1x40x128xi32, #tpu.memory_space<hbm>> -> memref<40x128xi32, #tpu.memory_space<hbm>>
      tpu.wait_dma2 semaphore(%run_scoped3A : memref<!tpu.dma_semaphore, #tpu.memory_space<semaphore_mem>>) src(%dma_wait3A_61 : memref<40x128xi32, #tpu.memory_space<hbm>>) dst(%arg5 : memref<40x128xi32, #tpu.memory_space<vmem>>)
      tpu.yield
    }) : () -> ()
    %while3A = arith.constant 0 : i32
    %while3A_27 = arith.constant 0 : i32
    %while3A_28 = arith.subi %select_n3A, %while3A_27 : i32
    %while3A_29 = arith.addi %while3A_27, %while3A_28 : i32
    %while3A_30 = arith.constant 1 : i32
    %while3A_31 = arith.divsi %while3A_28, %while3A_30 : i32
    %while3A_32 = arith.muli %while3A_31, %while3A_30 : i32
    %while3A_33 = arith.addi %while3A_27, %while3A_32 : i32
    %while3A_34 = arith.constant 1 : i32
    scf.for %while3A_48 = %while3A_27 to %while3A_33 step %while3A_34  : i32 {
      %mul3A_49 = arith.constant 128 : i32
      %mul3A_50 = arith.muli %while3A_48, %mul3A_49 : i32
      %dma_start3A = arith.constant 0 : i32
      %dma_start3A_51 = tpu.memref_slice %arg6[%mul3A_50, %dma_start3A] : memref<5120x16xf32, #tpu.memory_space<vmem>> -> memref<128x16xf32, #tpu.memory_space<vmem>>
      %dma_start3A_52 = arith.constant 0 : i32
      %dma_start3A_53 = tpu.memref_slice %arg5[%while3A_48, %dma_start3A_52] : memref<40x128xi32, #tpu.memory_space<vmem>> -> memref<1x128xi32, #tpu.memory_space<vmem>>
      %dma_start3A_54 = tpu.memref_squeeze %dma_start3A_53 : memref<1x128xi32, #tpu.memory_space<vmem>> -> memref<128xi32, #tpu.memory_space<vmem>>
      %dma_start3A_55 = arith.constant 0 : i32
      %dma_start3A_56 = arith.constant 0 : i32
      %dma_start3A_57 = tpu.memref_slice %arg2[%dma_start3A_55, %dma_start3A_56] : memref<10000x16xf32, #tpu.memory_space<hbm>> -> memref<10000x16xf32, #tpu.memory_space<hbm>>
      tpu.enqueue_indirect_dma source(%dma_start3A_57 : memref<10000x16xf32, #tpu.memory_space<hbm>>) target(%dma_start3A_51 : memref<128x16xf32, #tpu.memory_space<vmem>>) offsets(%dma_start3A_54 : memref<128xi32, #tpu.memory_space<vmem>>) semaphore(%arg7 : memref<!tpu.dma_semaphore, #tpu.memory_space<semaphore_mem>>)
    }
    %while3A_35 = arith.constant 1 : i32
    scf.for %while3A_48 = %while3A_33 to %while3A_29 step %while3A_35  : i32 {
      %mul3A_49 = arith.constant 128 : i32
      %mul3A_50 = arith.muli %while3A_48, %mul3A_49 : i32
      %dma_start3A = arith.constant 0 : i32
      %dma_start3A_51 = tpu.memref_slice %arg6[%mul3A_50, %dma_start3A] : memref<5120x16xf32, #tpu.memory_space<vmem>> -> memref<128x16xf32, #tpu.memory_space<vmem>>
      %dma_start3A_52 = arith.constant 0 : i32
      %dma_start3A_53 = tpu.memref_slice %arg5[%while3A_48, %dma_start3A_52] : memref<40x128xi32, #tpu.memory_space<vmem>> -> memref<1x128xi32, #tpu.memory_space<vmem>>
      %dma_start3A_54 = tpu.memref_squeeze %dma_start3A_53 : memref<1x128xi32, #tpu.memory_space<vmem>> -> memref<128xi32, #tpu.memory_space<vmem>>
      %dma_start3A_55 = arith.constant 0 : i32
      %dma_start3A_56 = arith.constant 0 : i32
      %dma_start3A_57 = tpu.memref_slice %arg2[%dma_start3A_55, %dma_start3A_56] : memref<10000x16xf32, #tpu.memory_space<hbm>> -> memref<10000x16xf32, #tpu.memory_space<hbm>>
      tpu.enqueue_indirect_dma source(%dma_start3A_57 : memref<10000x16xf32, #tpu.memory_space<hbm>>) target(%dma_start3A_51 : memref<128x16xf32, #tpu.memory_space<vmem>>) offsets(%dma_start3A_54 : memref<128xi32, #tpu.memory_space<vmem>>) semaphore(%arg7 : memref<!tpu.dma_semaphore, #tpu.memory_space<semaphore_mem>>)
    }
    %while3A_36 = arith.constant 0 : i32
    %while3A_37 = arith.constant 0 : i32
    %while3A_38 = arith.subi %select_n3A, %while3A_37 : i32
    %while3A_39 = arith.addi %while3A_37, %while3A_38 : i32
    %while3A_40 = arith.constant 1 : i32
    %while3A_41 = arith.divsi %while3A_38, %while3A_40 : i32
    %while3A_42 = arith.muli %while3A_41, %while3A_40 : i32
    %while3A_43 = arith.addi %while3A_37, %while3A_42 : i32
    %while3A_44 = arith.constant 1 : i32
    scf.for %while3A_48 = %while3A_37 to %while3A_43 step %while3A_44  : i32 {
      %dma_wait3A = arith.constant 0 : i32
      %dma_wait3A_49 = arith.constant 0 : i32
      %dma_wait3A_50 = tpu.memref_slice %arg6[%dma_wait3A, %dma_wait3A_49] : memref<5120x16xf32, #tpu.memory_space<vmem>> -> memref<128x16xf32, #tpu.memory_space<vmem>>
      %dma_wait3A_51 = arith.constant 0 : i32
      %dma_wait3A_52 = arith.constant 0 : i32
      %dma_wait3A_53 = tpu.memref_slice %arg4[%dma_wait3A_51, %dma_wait3A_52] : memref<163840x16xf32, #tpu.memory_space<hbm>> -> memref<128x16xf32, #tpu.memory_space<hbm>>
      %dma_wait3A_54 = arith.constant 0 : i32
      %dma_wait3A_55 = arith.constant 0 : i32
      %dma_wait3A_56 = tpu.memref_slice %arg6[%dma_wait3A_54, %dma_wait3A_55] : memref<5120x16xf32, #tpu.memory_space<vmem>> -> memref<128x16xf32, #tpu.memory_space<vmem>>
      %dma_wait3A_57 = arith.constant 0 : i32
      %dma_wait3A_58 = arith.constant 0 : i32
      %dma_wait3A_59 = tpu.memref_slice %arg4[%dma_wait3A_57, %dma_wait3A_58] : memref<163840x16xf32, #tpu.memory_space<hbm>> -> memref<128x16xf32, #tpu.memory_space<hbm>>
      tpu.wait_dma2 semaphore(%arg7 : memref<!tpu.dma_semaphore, #tpu.memory_space<semaphore_mem>>) src(%dma_wait3A_59 : memref<128x16xf32, #tpu.memory_space<hbm>>) dst(%dma_wait3A_56 : memref<128x16xf32, #tpu.memory_space<vmem>>)
    }
    %while3A_45 = arith.constant 1 : i32
    scf.for %while3A_48 = %while3A_43 to %while3A_39 step %while3A_45  : i32 {
      %dma_wait3A = arith.constant 0 : i32
      %dma_wait3A_49 = arith.constant 0 : i32
      %dma_wait3A_50 = tpu.memref_slice %arg6[%dma_wait3A, %dma_wait3A_49] : memref<5120x16xf32, #tpu.memory_space<vmem>> -> memref<128x16xf32, #tpu.memory_space<vmem>>
      %dma_wait3A_51 = arith.constant 0 : i32
      %dma_wait3A_52 = arith.constant 0 : i32
      %dma_wait3A_53 = tpu.memref_slice %arg4[%dma_wait3A_51, %dma_wait3A_52] : memref<163840x16xf32, #tpu.memory_space<hbm>> -> memref<128x16xf32, #tpu.memory_space<hbm>>
      %dma_wait3A_54 = arith.constant 0 : i32
      %dma_wait3A_55 = arith.constant 0 : i32
      %dma_wait3A_56 = tpu.memref_slice %arg6[%dma_wait3A_54, %dma_wait3A_55] : memref<5120x16xf32, #tpu.memory_space<vmem>> -> memref<128x16xf32, #tpu.memory_space<vmem>>
      %dma_wait3A_57 = arith.constant 0 : i32
      %dma_wait3A_58 = arith.constant 0 : i32
      %dma_wait3A_59 = tpu.memref_slice %arg4[%dma_wait3A_57, %dma_wait3A_58] : memref<163840x16xf32, #tpu.memory_space<hbm>> -> memref<128x16xf32, #tpu.memory_space<hbm>>
      tpu.wait_dma2 semaphore(%arg7 : memref<!tpu.dma_semaphore, #tpu.memory_space<semaphore_mem>>) src(%dma_wait3A_59 : memref<128x16xf32, #tpu.memory_space<hbm>>) dst(%dma_wait3A_56 : memref<128x16xf32, #tpu.memory_space<vmem>>)
    }
    %mul3A_46 = arith.constant 5120 : i32
    %mul3A_47 = arith.muli %add3A, %mul3A_46 : i32
    "tpu.region"() ({
      %run_scoped3A = tpu.sem_alloc : memref<!tpu.dma_semaphore, #tpu.memory_space<semaphore_mem>>
      %dma_start3A = arith.constant 0 : i32
      %dma_start3A_48 = tpu.memref_slice %arg4[%mul3A_47, %dma_start3A] : memref<163840x16xf32, #tpu.memory_space<hbm>> -> memref<5120x16xf32, #tpu.memory_space<hbm>>
      %dma_start3A_49 = arith.constant 0 : i32
      %dma_start3A_50 = tpu.memref_slice %arg4[%mul3A_47, %dma_start3A_49] : memref<163840x16xf32, #tpu.memory_space<hbm>> -> memref<5120x16xf32, #tpu.memory_space<hbm>>
      tpu.enqueue_dma source(%arg6 : memref<5120x16xf32, #tpu.memory_space<vmem>>) target(%dma_start3A_50 : memref<5120x16xf32, #tpu.memory_space<hbm>>) target_semaphore(%run_scoped3A : memref<!tpu.dma_semaphore, #tpu.memory_space<semaphore_mem>>)
      %dma_wait3A = arith.constant 0 : i32
      %dma_wait3A_51 = tpu.memref_slice %arg4[%mul3A_47, %dma_wait3A] : memref<163840x16xf32, #tpu.memory_space<hbm>> -> memref<5120x16xf32, #tpu.memory_space<hbm>>
      %dma_wait3A_52 = arith.constant 0 : i32
      %dma_wait3A_53 = tpu.memref_slice %arg4[%mul3A_47, %dma_wait3A_52] : memref<163840x16xf32, #tpu.memory_space<hbm>> -> memref<5120x16xf32, #tpu.memory_space<hbm>>
      tpu.wait_dma2 semaphore(%run_scoped3A : memref<!tpu.dma_semaphore, #tpu.memory_space<semaphore_mem>>) src(%arg6 : memref<5120x16xf32, #tpu.memory_space<vmem>>) dst(%dma_wait3A_53 : memref<5120x16xf32, #tpu.memory_space<hbm>>)
      tpu.yield
    }) : () -> ()
    return
  }
}

#map = affine_map<(d0, d1) -> (0, 0)>
#map1 = affine_map<(d0, d1) -> (0, 0, 0)>
module attributes {stable_mosaic.version = 14 : i64} {
  func.func @scatter_k(%arg0: i32, %arg1: i32, %arg2: memref<163840x16xf32, #tpu.memory_space<hbm>>, %arg3: memref<32x40x128xi32, #tpu.memory_space<hbm>>, %arg4: memref<10000x16xf32, #tpu.memory_space<hbm>>, %arg5: memref<2x10000x16xf32, #tpu.memory_space<hbm>>, %arg6: memref<40x128xi32, #tpu.memory_space<vmem>>, %arg7: memref<5120x16xf32, #tpu.memory_space<vmem>>, %arg8: memref<10000x16xf32, #tpu.memory_space<vmem_shared>>, %arg9: memref<!tpu.dma_semaphore, #tpu.memory_space<semaphore_mem>>) attributes {dimension_semantics = [#tpu.dimension_semantics<core_parallel>, #tpu.dimension_semantics<subcore_parallel>], iteration_bounds = array<i64: 2, 16>, scalar_prefetch = 0 : i64, scratch_operands = 4 : i64, tpu.core_type = #tpu.core_type<sc_vector_subcore>, window_params = [{transform_indices = #map}, {transform_indices = #map1}, {transform_indices = #map}, {transform_indices = #map1}]} {
    %mul3A = arith.constant 2 : i32
    %mul3A_0 = arith.muli %arg1, %mul3A : i32
    %add3A = arith.addi %mul3A_0, %arg0 : i32
    %mul3A_1 = arith.constant 625 : i32
    %mul3A_2 = arith.muli %arg1, %mul3A_1 : i32
    %mul3A_3 = arith.constant 625 : i32
    %mul3A_4 = arith.muli %arg1, %mul3A_3 : i32
    "tpu.region"() ({
      %run_scoped3A = tpu.sem_alloc : memref<!tpu.dma_semaphore, #tpu.memory_space<semaphore_mem>>
      %dma_start3A = arith.constant 0 : i32
      %dma_start3A_57 = tpu.memref_slice %arg8[%mul3A_4, %dma_start3A] : memref<10000x16xf32, #tpu.memory_space<vmem_shared>> -> memref<625x16xf32, #tpu.memory_space<vmem_shared>>
      %dma_start3A_58 = arith.constant 0 : i32
      %dma_start3A_59 = tpu.memref_slice %arg4[%mul3A_2, %dma_start3A_58] : memref<10000x16xf32, #tpu.memory_space<hbm>> -> memref<625x16xf32, #tpu.memory_space<hbm>>
      tpu.enqueue_dma source(%dma_start3A_59 : memref<625x16xf32, #tpu.memory_space<hbm>>) target(%dma_start3A_57 : memref<625x16xf32, #tpu.memory_space<vmem_shared>>) target_semaphore(%run_scoped3A : memref<!tpu.dma_semaphore, #tpu.memory_space<semaphore_mem>>)
      %dma_wait3A = arith.constant 0 : i32
      %dma_wait3A_60 = tpu.memref_slice %arg8[%mul3A_4, %dma_wait3A] : memref<10000x16xf32, #tpu.memory_space<vmem_shared>> -> memref<625x16xf32, #tpu.memory_space<vmem_shared>>
      %dma_wait3A_61 = arith.constant 0 : i32
      %dma_wait3A_62 = tpu.memref_slice %arg4[%mul3A_2, %dma_wait3A_61] : memref<10000x16xf32, #tpu.memory_space<hbm>> -> memref<625x16xf32, #tpu.memory_space<hbm>>
      tpu.wait_dma2 semaphore(%run_scoped3A : memref<!tpu.dma_semaphore, #tpu.memory_space<semaphore_mem>>) src(%dma_wait3A_62 : memref<625x16xf32, #tpu.memory_space<hbm>>) dst(%dma_wait3A_60 : memref<625x16xf32, #tpu.memory_space<vmem_shared>>)
      tpu.yield
    }) : () -> ()
    "tpu.region"() ({
      %run_scoped3A = tpu.sem_alloc : memref<!tpu.dma_semaphore, #tpu.memory_space<semaphore_mem>>
      %dma_start3A = arith.constant 0 : i32
      %dma_start3A_57 = arith.constant 0 : i32
      %dma_start3A_58 = tpu.memref_slice %arg3[%add3A, %dma_start3A, %dma_start3A_57] : memref<32x40x128xi32, #tpu.memory_space<hbm>> -> memref<1x40x128xi32, #tpu.memory_space<hbm>>
      %dma_start3A_59 = tpu.memref_squeeze %dma_start3A_58 : memref<1x40x128xi32, #tpu.memory_space<hbm>> -> memref<40x128xi32, #tpu.memory_space<hbm>>
      %dma_start3A_60 = arith.constant 0 : i32
      %dma_start3A_61 = arith.constant 0 : i32
      %dma_start3A_62 = tpu.memref_slice %arg3[%add3A, %dma_start3A_60, %dma_start3A_61] : memref<32x40x128xi32, #tpu.memory_space<hbm>> -> memref<1x40x128xi32, #tpu.memory_space<hbm>>
      %dma_start3A_63 = tpu.memref_squeeze %dma_start3A_62 : memref<1x40x128xi32, #tpu.memory_space<hbm>> -> memref<40x128xi32, #tpu.memory_space<hbm>>
      tpu.enqueue_dma source(%dma_start3A_63 : memref<40x128xi32, #tpu.memory_space<hbm>>) target(%arg6 : memref<40x128xi32, #tpu.memory_space<vmem>>) target_semaphore(%run_scoped3A : memref<!tpu.dma_semaphore, #tpu.memory_space<semaphore_mem>>)
      %dma_wait3A = arith.constant 0 : i32
      %dma_wait3A_64 = arith.constant 0 : i32
      %dma_wait3A_65 = tpu.memref_slice %arg3[%add3A, %dma_wait3A, %dma_wait3A_64] : memref<32x40x128xi32, #tpu.memory_space<hbm>> -> memref<1x40x128xi32, #tpu.memory_space<hbm>>
      %dma_wait3A_66 = tpu.memref_squeeze %dma_wait3A_65 : memref<1x40x128xi32, #tpu.memory_space<hbm>> -> memref<40x128xi32, #tpu.memory_space<hbm>>
      %dma_wait3A_67 = arith.constant 0 : i32
      %dma_wait3A_68 = arith.constant 0 : i32
      %dma_wait3A_69 = tpu.memref_slice %arg3[%add3A, %dma_wait3A_67, %dma_wait3A_68] : memref<32x40x128xi32, #tpu.memory_space<hbm>> -> memref<1x40x128xi32, #tpu.memory_space<hbm>>
      %dma_wait3A_70 = tpu.memref_squeeze %dma_wait3A_69 : memref<1x40x128xi32, #tpu.memory_space<hbm>> -> memref<40x128xi32, #tpu.memory_space<hbm>>
      tpu.wait_dma2 semaphore(%run_scoped3A : memref<!tpu.dma_semaphore, #tpu.memory_space<semaphore_mem>>) src(%dma_wait3A_70 : memref<40x128xi32, #tpu.memory_space<hbm>>) dst(%arg6 : memref<40x128xi32, #tpu.memory_space<vmem>>)
      tpu.yield
    }) : () -> ()
    %mul3A_5 = arith.constant 5120 : i32
    %mul3A_6 = arith.muli %add3A, %mul3A_5 : i32
    "tpu.region"() ({
      %run_scoped3A = tpu.sem_alloc : memref<!tpu.dma_semaphore, #tpu.memory_space<semaphore_mem>>
      %dma_start3A = arith.constant 0 : i32
      %dma_start3A_57 = tpu.memref_slice %arg2[%mul3A_6, %dma_start3A] : memref<163840x16xf32, #tpu.memory_space<hbm>> -> memref<5120x16xf32, #tpu.memory_space<hbm>>
      %dma_start3A_58 = arith.constant 0 : i32
      %dma_start3A_59 = tpu.memref_slice %arg2[%mul3A_6, %dma_start3A_58] : memref<163840x16xf32, #tpu.memory_space<hbm>> -> memref<5120x16xf32, #tpu.memory_space<hbm>>
      tpu.enqueue_dma source(%dma_start3A_59 : memref<5120x16xf32, #tpu.memory_space<hbm>>) target(%arg7 : memref<5120x16xf32, #tpu.memory_space<vmem>>) target_semaphore(%run_scoped3A : memref<!tpu.dma_semaphore, #tpu.memory_space<semaphore_mem>>)
      %dma_wait3A = arith.constant 0 : i32
      %dma_wait3A_60 = tpu.memref_slice %arg2[%mul3A_6, %dma_wait3A] : memref<163840x16xf32, #tpu.memory_space<hbm>> -> memref<5120x16xf32, #tpu.memory_space<hbm>>
      %dma_wait3A_61 = arith.constant 0 : i32
      %dma_wait3A_62 = tpu.memref_slice %arg2[%mul3A_6, %dma_wait3A_61] : memref<163840x16xf32, #tpu.memory_space<hbm>> -> memref<5120x16xf32, #tpu.memory_space<hbm>>
      tpu.wait_dma2 semaphore(%run_scoped3A : memref<!tpu.dma_semaphore, #tpu.memory_space<semaphore_mem>>) src(%dma_wait3A_62 : memref<5120x16xf32, #tpu.memory_space<hbm>>) dst(%arg7 : memref<5120x16xf32, #tpu.memory_space<vmem>>)
      tpu.yield
    }) : () -> ()
    %mul3A_7 = arith.constant 5120 : i32
    %mul3A_8 = arith.muli %add3A, %mul3A_7 : i32
    %sub3A = arith.constant 160000 : i32
    %sub3A_9 = arith.subi %sub3A, %mul3A_8 : i32
    %jit3A = arith.constant 0 : i32
    %jit3A_10 = arith.constant 5120 : i32
    %max3A = arith.maxsi %jit3A, %sub3A_9 : i32
    %min3A = arith.minsi %jit3A_10, %max3A : i32
    %add3A_11 = arith.constant 128 : i32
    %add3A_12 = arith.addi %min3A, %add3A_11 : i32
    %sub3A_13 = arith.constant 1 : i32
    %sub3A_14 = arith.subi %add3A_12, %sub3A_13 : i32
    %jit3A_15 = arith.constant 128 : i32
    %div3A = arith.divsi %sub3A_14, %jit3A_15 : i32
    %sign3A = arith.constant 0 : i32
    %sign3A_16 = arith.cmpi sgt, %sub3A_14, %sign3A : i32
    %sign3A_17 = arith.extui %sign3A_16 : i1 to i32
    %sign3A_18 = arith.constant 0 : i32
    %sign3A_19 = arith.cmpi slt, %sub3A_14, %sign3A_18 : i32
    %sign3A_20 = arith.extui %sign3A_19 : i1 to i32
    %sign3A_21 = arith.subi %sign3A_17, %sign3A_20 : i32
    %sign3A_22 = arith.constant 0 : i32
    %sign3A_23 = arith.cmpi sgt, %jit3A_15, %sign3A_22 : i32
    %sign3A_24 = arith.extui %sign3A_23 : i1 to i32
    %sign3A_25 = arith.constant 0 : i32
    %sign3A_26 = arith.cmpi slt, %jit3A_15, %sign3A_25 : i32
    %sign3A_27 = arith.extui %sign3A_26 : i1 to i32
    %sign3A_28 = arith.subi %sign3A_24, %sign3A_27 : i32
    %ne3A = arith.cmpi ne, %sign3A_21, %sign3A_28 : i32
    %rem3A = arith.remsi %sub3A_14, %jit3A_15 : i32
    %ne3A_29 = arith.constant 0 : i32
    %ne3A_30 = arith.cmpi ne, %rem3A, %ne3A_29 : i32
    %and3A = arith.andi %ne3A, %ne3A_30 : i1
    %sub3A_31 = arith.constant 1 : i32
    %sub3A_32 = arith.subi %div3A, %sub3A_31 : i32
    %select_n3A = arith.select %and3A, %sub3A_32, %div3A : i32
    %barrier3A = arith.constant 0 : index
    tpu.barrier barrier_id(%barrier3A)
    %while3A = arith.constant 0 : i32
    %while3A_33 = arith.constant 0 : i32
    %while3A_34 = arith.subi %select_n3A, %while3A_33 : i32
    %while3A_35 = arith.addi %while3A_33, %while3A_34 : i32
    %while3A_36 = arith.constant 1 : i32
    %while3A_37 = arith.divsi %while3A_34, %while3A_36 : i32
    %while3A_38 = arith.muli %while3A_37, %while3A_36 : i32
    %while3A_39 = arith.addi %while3A_33, %while3A_38 : i32
    %while3A_40 = arith.constant 1 : i32
    scf.for %while3A_57 = %while3A_33 to %while3A_39 step %while3A_40  : i32 {
      %mul3A_58 = arith.constant 128 : i32
      %mul3A_59 = arith.muli %while3A_57, %mul3A_58 : i32
      %dma_start3A = arith.constant 0 : i32
      %dma_start3A_60 = tpu.memref_slice %arg7[%mul3A_59, %dma_start3A] : memref<5120x16xf32, #tpu.memory_space<vmem>> -> memref<128x16xf32, #tpu.memory_space<vmem>>
      %dma_start3A_61 = arith.constant 0 : i32
      %dma_start3A_62 = tpu.memref_slice %arg6[%while3A_57, %dma_start3A_61] : memref<40x128xi32, #tpu.memory_space<vmem>> -> memref<1x128xi32, #tpu.memory_space<vmem>>
      %dma_start3A_63 = tpu.memref_squeeze %dma_start3A_62 : memref<1x128xi32, #tpu.memory_space<vmem>> -> memref<128xi32, #tpu.memory_space<vmem>>
      %dma_start3A_64 = arith.constant 0 : i32
      %dma_start3A_65 = arith.constant 0 : i32
      %dma_start3A_66 = tpu.memref_slice %arg8[%dma_start3A_64, %dma_start3A_65] : memref<10000x16xf32, #tpu.memory_space<vmem_shared>> -> memref<10000x16xf32, #tpu.memory_space<vmem_shared>>
      tpu.enqueue_indirect_dma source(%dma_start3A_60 : memref<128x16xf32, #tpu.memory_space<vmem>>) target(%dma_start3A_66 : memref<10000x16xf32, #tpu.memory_space<vmem_shared>>) offsets(%dma_start3A_63 : memref<128xi32, #tpu.memory_space<vmem>>) semaphore(%arg9 : memref<!tpu.dma_semaphore, #tpu.memory_space<semaphore_mem>>) {add = true}
    }
    %while3A_41 = arith.constant 1 : i32
    scf.for %while3A_57 = %while3A_39 to %while3A_35 step %while3A_41  : i32 {
      %mul3A_58 = arith.constant 128 : i32
      %mul3A_59 = arith.muli %while3A_57, %mul3A_58 : i32
      %dma_start3A = arith.constant 0 : i32
      %dma_start3A_60 = tpu.memref_slice %arg7[%mul3A_59, %dma_start3A] : memref<5120x16xf32, #tpu.memory_space<vmem>> -> memref<128x16xf32, #tpu.memory_space<vmem>>
      %dma_start3A_61 = arith.constant 0 : i32
      %dma_start3A_62 = tpu.memref_slice %arg6[%while3A_57, %dma_start3A_61] : memref<40x128xi32, #tpu.memory_space<vmem>> -> memref<1x128xi32, #tpu.memory_space<vmem>>
      %dma_start3A_63 = tpu.memref_squeeze %dma_start3A_62 : memref<1x128xi32, #tpu.memory_space<vmem>> -> memref<128xi32, #tpu.memory_space<vmem>>
      %dma_start3A_64 = arith.constant 0 : i32
      %dma_start3A_65 = arith.constant 0 : i32
      %dma_start3A_66 = tpu.memref_slice %arg8[%dma_start3A_64, %dma_start3A_65] : memref<10000x16xf32, #tpu.memory_space<vmem_shared>> -> memref<10000x16xf32, #tpu.memory_space<vmem_shared>>
      tpu.enqueue_indirect_dma source(%dma_start3A_60 : memref<128x16xf32, #tpu.memory_space<vmem>>) target(%dma_start3A_66 : memref<10000x16xf32, #tpu.memory_space<vmem_shared>>) offsets(%dma_start3A_63 : memref<128xi32, #tpu.memory_space<vmem>>) semaphore(%arg9 : memref<!tpu.dma_semaphore, #tpu.memory_space<semaphore_mem>>) {add = true}
    }
    %while3A_42 = arith.constant 0 : i32
    %while3A_43 = arith.constant 0 : i32
    %while3A_44 = arith.subi %select_n3A, %while3A_43 : i32
    %while3A_45 = arith.addi %while3A_43, %while3A_44 : i32
    %while3A_46 = arith.constant 1 : i32
    %while3A_47 = arith.divsi %while3A_44, %while3A_46 : i32
    %while3A_48 = arith.muli %while3A_47, %while3A_46 : i32
    %while3A_49 = arith.addi %while3A_43, %while3A_48 : i32
    %while3A_50 = arith.constant 1 : i32
    scf.for %while3A_57 = %while3A_43 to %while3A_49 step %while3A_50  : i32 {
      %dma_wait3A = arith.constant 0 : i32
      %dma_wait3A_58 = arith.constant 0 : i32
      %dma_wait3A_59 = tpu.memref_slice %arg7[%dma_wait3A, %dma_wait3A_58] : memref<5120x16xf32, #tpu.memory_space<vmem>> -> memref<128x16xf32, #tpu.memory_space<vmem>>
      %dma_wait3A_60 = arith.constant 0 : i32
      %dma_wait3A_61 = arith.constant 0 : i32
      %dma_wait3A_62 = tpu.memref_slice %arg2[%dma_wait3A_60, %dma_wait3A_61] : memref<163840x16xf32, #tpu.memory_space<hbm>> -> memref<128x16xf32, #tpu.memory_space<hbm>>
      %dma_wait3A_63 = arith.constant 0 : i32
      %dma_wait3A_64 = arith.constant 0 : i32
      %dma_wait3A_65 = tpu.memref_slice %arg7[%dma_wait3A_63, %dma_wait3A_64] : memref<5120x16xf32, #tpu.memory_space<vmem>> -> memref<128x16xf32, #tpu.memory_space<vmem>>
      %dma_wait3A_66 = arith.constant 0 : i32
      %dma_wait3A_67 = arith.constant 0 : i32
      %dma_wait3A_68 = tpu.memref_slice %arg2[%dma_wait3A_66, %dma_wait3A_67] : memref<163840x16xf32, #tpu.memory_space<hbm>> -> memref<128x16xf32, #tpu.memory_space<hbm>>
      tpu.wait_dma2 semaphore(%arg9 : memref<!tpu.dma_semaphore, #tpu.memory_space<semaphore_mem>>) src(%dma_wait3A_68 : memref<128x16xf32, #tpu.memory_space<hbm>>) dst(%dma_wait3A_65 : memref<128x16xf32, #tpu.memory_space<vmem>>)
    }
    %while3A_51 = arith.constant 1 : i32
    scf.for %while3A_57 = %while3A_49 to %while3A_45 step %while3A_51  : i32 {
      %dma_wait3A = arith.constant 0 : i32
      %dma_wait3A_58 = arith.constant 0 : i32
      %dma_wait3A_59 = tpu.memref_slice %arg7[%dma_wait3A, %dma_wait3A_58] : memref<5120x16xf32, #tpu.memory_space<vmem>> -> memref<128x16xf32, #tpu.memory_space<vmem>>
      %dma_wait3A_60 = arith.constant 0 : i32
      %dma_wait3A_61 = arith.constant 0 : i32
      %dma_wait3A_62 = tpu.memref_slice %arg2[%dma_wait3A_60, %dma_wait3A_61] : memref<163840x16xf32, #tpu.memory_space<hbm>> -> memref<128x16xf32, #tpu.memory_space<hbm>>
      %dma_wait3A_63 = arith.constant 0 : i32
      %dma_wait3A_64 = arith.constant 0 : i32
      %dma_wait3A_65 = tpu.memref_slice %arg7[%dma_wait3A_63, %dma_wait3A_64] : memref<5120x16xf32, #tpu.memory_space<vmem>> -> memref<128x16xf32, #tpu.memory_space<vmem>>
      %dma_wait3A_66 = arith.constant 0 : i32
      %dma_wait3A_67 = arith.constant 0 : i32
      %dma_wait3A_68 = tpu.memref_slice %arg2[%dma_wait3A_66, %dma_wait3A_67] : memref<163840x16xf32, #tpu.memory_space<hbm>> -> memref<128x16xf32, #tpu.memory_space<hbm>>
      tpu.wait_dma2 semaphore(%arg9 : memref<!tpu.dma_semaphore, #tpu.memory_space<semaphore_mem>>) src(%dma_wait3A_68 : memref<128x16xf32, #tpu.memory_space<hbm>>) dst(%dma_wait3A_65 : memref<128x16xf32, #tpu.memory_space<vmem>>)
    }
    %barrier3A_52 = arith.constant 0 : index
    tpu.barrier barrier_id(%barrier3A_52)
    %mul3A_53 = arith.constant 625 : i32
    %mul3A_54 = arith.muli %arg1, %mul3A_53 : i32
    %mul3A_55 = arith.constant 625 : i32
    %mul3A_56 = arith.muli %arg1, %mul3A_55 : i32
    "tpu.region"() ({
      %run_scoped3A = tpu.sem_alloc : memref<!tpu.dma_semaphore, #tpu.memory_space<semaphore_mem>>
      %dma_start3A = arith.constant 0 : i32
      %dma_start3A_57 = tpu.memref_slice %arg5[%arg0, %mul3A_56, %dma_start3A] : memref<2x10000x16xf32, #tpu.memory_space<hbm>> -> memref<1x625x16xf32, #tpu.memory_space<hbm>>
      %dma_start3A_58 = tpu.memref_squeeze %dma_start3A_57 : memref<1x625x16xf32, #tpu.memory_space<hbm>> -> memref<625x16xf32, #tpu.memory_space<hbm>>
      %dma_start3A_59 = arith.constant 0 : i32
      %dma_start3A_60 = tpu.memref_slice %arg8[%mul3A_54, %dma_start3A_59] : memref<10000x16xf32, #tpu.memory_space<vmem_shared>> -> memref<625x16xf32, #tpu.memory_space<vmem_shared>>
      tpu.enqueue_dma source(%dma_start3A_60 : memref<625x16xf32, #tpu.memory_space<vmem_shared>>) target(%dma_start3A_58 : memref<625x16xf32, #tpu.memory_space<hbm>>) target_semaphore(%run_scoped3A : memref<!tpu.dma_semaphore, #tpu.memory_space<semaphore_mem>>)
      %dma_wait3A = arith.constant 0 : i32
      %dma_wait3A_61 = tpu.memref_slice %arg5[%arg0, %mul3A_56, %dma_wait3A] : memref<2x10000x16xf32, #tpu.memory_space<hbm>> -> memref<1x625x16xf32, #tpu.memory_space<hbm>>
      %dma_wait3A_62 = tpu.memref_squeeze %dma_wait3A_61 : memref<1x625x16xf32, #tpu.memory_space<hbm>> -> memref<625x16xf32, #tpu.memory_space<hbm>>
      %dma_wait3A_63 = arith.constant 0 : i32
      %dma_wait3A_64 = tpu.memref_slice %arg8[%mul3A_54, %dma_wait3A_63] : memref<10000x16xf32, #tpu.memory_space<vmem_shared>> -> memref<625x16xf32, #tpu.memory_space<vmem_shared>>
      tpu.wait_dma2 semaphore(%run_scoped3A : memref<!tpu.dma_semaphore, #tpu.memory_space<semaphore_mem>>) src(%dma_wait3A_64 : memref<625x16xf32, #tpu.memory_space<vmem_shared>>) dst(%dma_wait3A_62 : memref<625x16xf32, #tpu.memory_space<hbm>>)
      tpu.yield
    }) : () -> ()
    return
  }
}

#map = affine_map<(d0, d1) -> (0, 0)>
#map1 = affine_map<(d0, d1) -> (0, 0, 0)>
module attributes {stable_mosaic.version = 14 : i64} {
  func.func @scatter_k(%arg0: i32, %arg1: i32, %arg2: memref<163840x16xf32, #tpu.memory_space<hbm>>, %arg3: memref<32x40x128xi32, #tpu.memory_space<hbm>>, %arg4: memref<10000x16xf32, #tpu.memory_space<hbm>>, %arg5: memref<2x10000x16xf32, #tpu.memory_space<hbm>>, %arg6: memref<40x128xi32, #tpu.memory_space<vmem>>, %arg7: memref<5120x16xf32, #tpu.memory_space<vmem>>, %arg8: memref<10000x16xf32, #tpu.memory_space<vmem_shared>>, %arg9: memref<!tpu.dma_semaphore, #tpu.memory_space<semaphore_mem>>) attributes {dimension_semantics = [#tpu.dimension_semantics<core_parallel>, #tpu.dimension_semantics<subcore_parallel>], iteration_bounds = array<i64: 2, 16>, scalar_prefetch = 0 : i64, scratch_operands = 4 : i64, tpu.core_type = #tpu.core_type<sc_vector_subcore>, window_params = [{transform_indices = #map}, {transform_indices = #map1}, {transform_indices = #map}, {transform_indices = #map1}]} {
    %mul3A = arith.constant 2 : i32
    %mul3A_0 = arith.muli %arg1, %mul3A : i32
    %add3A = arith.addi %mul3A_0, %arg0 : i32
    %mul3A_1 = arith.constant 625 : i32
    %mul3A_2 = arith.muli %arg1, %mul3A_1 : i32
    %mul3A_3 = arith.constant 625 : i32
    %mul3A_4 = arith.muli %arg1, %mul3A_3 : i32
    "tpu.region"() ({
      %run_scoped3A = tpu.sem_alloc : memref<!tpu.dma_semaphore, #tpu.memory_space<semaphore_mem>>
      %dma_start3A = arith.constant 0 : i32
      %dma_start3A_57 = tpu.memref_slice %arg8[%mul3A_4, %dma_start3A] : memref<10000x16xf32, #tpu.memory_space<vmem_shared>> -> memref<625x16xf32, #tpu.memory_space<vmem_shared>>
      %dma_start3A_58 = arith.constant 0 : i32
      %dma_start3A_59 = tpu.memref_slice %arg4[%mul3A_2, %dma_start3A_58] : memref<10000x16xf32, #tpu.memory_space<hbm>> -> memref<625x16xf32, #tpu.memory_space<hbm>>
      tpu.enqueue_dma source(%dma_start3A_59 : memref<625x16xf32, #tpu.memory_space<hbm>>) target(%dma_start3A_57 : memref<625x16xf32, #tpu.memory_space<vmem_shared>>) target_semaphore(%run_scoped3A : memref<!tpu.dma_semaphore, #tpu.memory_space<semaphore_mem>>)
      %dma_wait3A = arith.constant 0 : i32
      %dma_wait3A_60 = tpu.memref_slice %arg8[%mul3A_4, %dma_wait3A] : memref<10000x16xf32, #tpu.memory_space<vmem_shared>> -> memref<625x16xf32, #tpu.memory_space<vmem_shared>>
      %dma_wait3A_61 = arith.constant 0 : i32
      %dma_wait3A_62 = tpu.memref_slice %arg4[%mul3A_2, %dma_wait3A_61] : memref<10000x16xf32, #tpu.memory_space<hbm>> -> memref<625x16xf32, #tpu.memory_space<hbm>>
      tpu.wait_dma2 semaphore(%run_scoped3A : memref<!tpu.dma_semaphore, #tpu.memory_space<semaphore_mem>>) src(%dma_wait3A_62 : memref<625x16xf32, #tpu.memory_space<hbm>>) dst(%dma_wait3A_60 : memref<625x16xf32, #tpu.memory_space<vmem_shared>>)
      tpu.yield
    }) : () -> ()
    "tpu.region"() ({
      %run_scoped3A = tpu.sem_alloc : memref<!tpu.dma_semaphore, #tpu.memory_space<semaphore_mem>>
      %dma_start3A = arith.constant 0 : i32
      %dma_start3A_57 = arith.constant 0 : i32
      %dma_start3A_58 = tpu.memref_slice %arg3[%add3A, %dma_start3A, %dma_start3A_57] : memref<32x40x128xi32, #tpu.memory_space<hbm>> -> memref<1x40x128xi32, #tpu.memory_space<hbm>>
      %dma_start3A_59 = tpu.memref_squeeze %dma_start3A_58 : memref<1x40x128xi32, #tpu.memory_space<hbm>> -> memref<40x128xi32, #tpu.memory_space<hbm>>
      %dma_start3A_60 = arith.constant 0 : i32
      %dma_start3A_61 = arith.constant 0 : i32
      %dma_start3A_62 = tpu.memref_slice %arg3[%add3A, %dma_start3A_60, %dma_start3A_61] : memref<32x40x128xi32, #tpu.memory_space<hbm>> -> memref<1x40x128xi32, #tpu.memory_space<hbm>>
      %dma_start3A_63 = tpu.memref_squeeze %dma_start3A_62 : memref<1x40x128xi32, #tpu.memory_space<hbm>> -> memref<40x128xi32, #tpu.memory_space<hbm>>
      tpu.enqueue_dma source(%dma_start3A_63 : memref<40x128xi32, #tpu.memory_space<hbm>>) target(%arg6 : memref<40x128xi32, #tpu.memory_space<vmem>>) target_semaphore(%run_scoped3A : memref<!tpu.dma_semaphore, #tpu.memory_space<semaphore_mem>>)
      %dma_wait3A = arith.constant 0 : i32
      %dma_wait3A_64 = arith.constant 0 : i32
      %dma_wait3A_65 = tpu.memref_slice %arg3[%add3A, %dma_wait3A, %dma_wait3A_64] : memref<32x40x128xi32, #tpu.memory_space<hbm>> -> memref<1x40x128xi32, #tpu.memory_space<hbm>>
      %dma_wait3A_66 = tpu.memref_squeeze %dma_wait3A_65 : memref<1x40x128xi32, #tpu.memory_space<hbm>> -> memref<40x128xi32, #tpu.memory_space<hbm>>
      %dma_wait3A_67 = arith.constant 0 : i32
      %dma_wait3A_68 = arith.constant 0 : i32
      %dma_wait3A_69 = tpu.memref_slice %arg3[%add3A, %dma_wait3A_67, %dma_wait3A_68] : memref<32x40x128xi32, #tpu.memory_space<hbm>> -> memref<1x40x128xi32, #tpu.memory_space<hbm>>
      %dma_wait3A_70 = tpu.memref_squeeze %dma_wait3A_69 : memref<1x40x128xi32, #tpu.memory_space<hbm>> -> memref<40x128xi32, #tpu.memory_space<hbm>>
      tpu.wait_dma2 semaphore(%run_scoped3A : memref<!tpu.dma_semaphore, #tpu.memory_space<semaphore_mem>>) src(%dma_wait3A_70 : memref<40x128xi32, #tpu.memory_space<hbm>>) dst(%arg6 : memref<40x128xi32, #tpu.memory_space<vmem>>)
      tpu.yield
    }) : () -> ()
    %mul3A_5 = arith.constant 5120 : i32
    %mul3A_6 = arith.muli %add3A, %mul3A_5 : i32
    "tpu.region"() ({
      %run_scoped3A = tpu.sem_alloc : memref<!tpu.dma_semaphore, #tpu.memory_space<semaphore_mem>>
      %dma_start3A = arith.constant 0 : i32
      %dma_start3A_57 = tpu.memref_slice %arg2[%mul3A_6, %dma_start3A] : memref<163840x16xf32, #tpu.memory_space<hbm>> -> memref<5120x16xf32, #tpu.memory_space<hbm>>
      %dma_start3A_58 = arith.constant 0 : i32
      %dma_start3A_59 = tpu.memref_slice %arg2[%mul3A_6, %dma_start3A_58] : memref<163840x16xf32, #tpu.memory_space<hbm>> -> memref<5120x16xf32, #tpu.memory_space<hbm>>
      tpu.enqueue_dma source(%dma_start3A_59 : memref<5120x16xf32, #tpu.memory_space<hbm>>) target(%arg7 : memref<5120x16xf32, #tpu.memory_space<vmem>>) target_semaphore(%run_scoped3A : memref<!tpu.dma_semaphore, #tpu.memory_space<semaphore_mem>>)
      %dma_wait3A = arith.constant 0 : i32
      %dma_wait3A_60 = tpu.memref_slice %arg2[%mul3A_6, %dma_wait3A] : memref<163840x16xf32, #tpu.memory_space<hbm>> -> memref<5120x16xf32, #tpu.memory_space<hbm>>
      %dma_wait3A_61 = arith.constant 0 : i32
      %dma_wait3A_62 = tpu.memref_slice %arg2[%mul3A_6, %dma_wait3A_61] : memref<163840x16xf32, #tpu.memory_space<hbm>> -> memref<5120x16xf32, #tpu.memory_space<hbm>>
      tpu.wait_dma2 semaphore(%run_scoped3A : memref<!tpu.dma_semaphore, #tpu.memory_space<semaphore_mem>>) src(%dma_wait3A_62 : memref<5120x16xf32, #tpu.memory_space<hbm>>) dst(%arg7 : memref<5120x16xf32, #tpu.memory_space<vmem>>)
      tpu.yield
    }) : () -> ()
    %mul3A_7 = arith.constant 5120 : i32
    %mul3A_8 = arith.muli %add3A, %mul3A_7 : i32
    %sub3A = arith.constant 160000 : i32
    %sub3A_9 = arith.subi %sub3A, %mul3A_8 : i32
    %jit3A = arith.constant 0 : i32
    %jit3A_10 = arith.constant 5120 : i32
    %max3A = arith.maxsi %jit3A, %sub3A_9 : i32
    %min3A = arith.minsi %jit3A_10, %max3A : i32
    %add3A_11 = arith.constant 128 : i32
    %add3A_12 = arith.addi %min3A, %add3A_11 : i32
    %sub3A_13 = arith.constant 1 : i32
    %sub3A_14 = arith.subi %add3A_12, %sub3A_13 : i32
    %jit3A_15 = arith.constant 128 : i32
    %div3A = arith.divsi %sub3A_14, %jit3A_15 : i32
    %sign3A = arith.constant 0 : i32
    %sign3A_16 = arith.cmpi sgt, %sub3A_14, %sign3A : i32
    %sign3A_17 = arith.extui %sign3A_16 : i1 to i32
    %sign3A_18 = arith.constant 0 : i32
    %sign3A_19 = arith.cmpi slt, %sub3A_14, %sign3A_18 : i32
    %sign3A_20 = arith.extui %sign3A_19 : i1 to i32
    %sign3A_21 = arith.subi %sign3A_17, %sign3A_20 : i32
    %sign3A_22 = arith.constant 0 : i32
    %sign3A_23 = arith.cmpi sgt, %jit3A_15, %sign3A_22 : i32
    %sign3A_24 = arith.extui %sign3A_23 : i1 to i32
    %sign3A_25 = arith.constant 0 : i32
    %sign3A_26 = arith.cmpi slt, %jit3A_15, %sign3A_25 : i32
    %sign3A_27 = arith.extui %sign3A_26 : i1 to i32
    %sign3A_28 = arith.subi %sign3A_24, %sign3A_27 : i32
    %ne3A = arith.cmpi ne, %sign3A_21, %sign3A_28 : i32
    %rem3A = arith.remsi %sub3A_14, %jit3A_15 : i32
    %ne3A_29 = arith.constant 0 : i32
    %ne3A_30 = arith.cmpi ne, %rem3A, %ne3A_29 : i32
    %and3A = arith.andi %ne3A, %ne3A_30 : i1
    %sub3A_31 = arith.constant 1 : i32
    %sub3A_32 = arith.subi %div3A, %sub3A_31 : i32
    %select_n3A = arith.select %and3A, %sub3A_32, %div3A : i32
    %barrier3A = arith.constant 0 : index
    tpu.barrier barrier_id(%barrier3A)
    %while3A = arith.constant 0 : i32
    %while3A_33 = arith.constant 0 : i32
    %while3A_34 = arith.subi %select_n3A, %while3A_33 : i32
    %while3A_35 = arith.addi %while3A_33, %while3A_34 : i32
    %while3A_36 = arith.constant 1 : i32
    %while3A_37 = arith.divsi %while3A_34, %while3A_36 : i32
    %while3A_38 = arith.muli %while3A_37, %while3A_36 : i32
    %while3A_39 = arith.addi %while3A_33, %while3A_38 : i32
    %while3A_40 = arith.constant 1 : i32
    scf.for %while3A_57 = %while3A_33 to %while3A_39 step %while3A_40  : i32 {
      %mul3A_58 = arith.constant 128 : i32
      %mul3A_59 = arith.muli %while3A_57, %mul3A_58 : i32
      %dma_start3A = arith.constant 0 : i32
      %dma_start3A_60 = tpu.memref_slice %arg7[%mul3A_59, %dma_start3A] : memref<5120x16xf32, #tpu.memory_space<vmem>> -> memref<128x16xf32, #tpu.memory_space<vmem>>
      %dma_start3A_61 = arith.constant 0 : i32
      %dma_start3A_62 = tpu.memref_slice %arg6[%while3A_57, %dma_start3A_61] : memref<40x128xi32, #tpu.memory_space<vmem>> -> memref<1x128xi32, #tpu.memory_space<vmem>>
      %dma_start3A_63 = tpu.memref_squeeze %dma_start3A_62 : memref<1x128xi32, #tpu.memory_space<vmem>> -> memref<128xi32, #tpu.memory_space<vmem>>
      %dma_start3A_64 = arith.constant 0 : i32
      %dma_start3A_65 = arith.constant 0 : i32
      %dma_start3A_66 = tpu.memref_slice %arg8[%dma_start3A_64, %dma_start3A_65] : memref<10000x16xf32, #tpu.memory_space<vmem_shared>> -> memref<10000x16xf32, #tpu.memory_space<vmem_shared>>
      tpu.enqueue_indirect_dma source(%dma_start3A_60 : memref<128x16xf32, #tpu.memory_space<vmem>>) target(%dma_start3A_66 : memref<10000x16xf32, #tpu.memory_space<vmem_shared>>) offsets(%dma_start3A_63 : memref<128xi32, #tpu.memory_space<vmem>>) semaphore(%arg9 : memref<!tpu.dma_semaphore, #tpu.memory_space<semaphore_mem>>) {add = true}
    }
    %while3A_41 = arith.constant 1 : i32
    scf.for %while3A_57 = %while3A_39 to %while3A_35 step %while3A_41  : i32 {
      %mul3A_58 = arith.constant 128 : i32
      %mul3A_59 = arith.muli %while3A_57, %mul3A_58 : i32
      %dma_start3A = arith.constant 0 : i32
      %dma_start3A_60 = tpu.memref_slice %arg7[%mul3A_59, %dma_start3A] : memref<5120x16xf32, #tpu.memory_space<vmem>> -> memref<128x16xf32, #tpu.memory_space<vmem>>
      %dma_start3A_61 = arith.constant 0 : i32
      %dma_start3A_62 = tpu.memref_slice %arg6[%while3A_57, %dma_start3A_61] : memref<40x128xi32, #tpu.memory_space<vmem>> -> memref<1x128xi32, #tpu.memory_space<vmem>>
      %dma_start3A_63 = tpu.memref_squeeze %dma_start3A_62 : memref<1x128xi32, #tpu.memory_space<vmem>> -> memref<128xi32, #tpu.memory_space<vmem>>
      %dma_start3A_64 = arith.constant 0 : i32
      %dma_start3A_65 = arith.constant 0 : i32
      %dma_start3A_66 = tpu.memref_slice %arg8[%dma_start3A_64, %dma_start3A_65] : memref<10000x16xf32, #tpu.memory_space<vmem_shared>> -> memref<10000x16xf32, #tpu.memory_space<vmem_shared>>
      tpu.enqueue_indirect_dma source(%dma_start3A_60 : memref<128x16xf32, #tpu.memory_space<vmem>>) target(%dma_start3A_66 : memref<10000x16xf32, #tpu.memory_space<vmem_shared>>) offsets(%dma_start3A_63 : memref<128xi32, #tpu.memory_space<vmem>>) semaphore(%arg9 : memref<!tpu.dma_semaphore, #tpu.memory_space<semaphore_mem>>) {add = true}
    }
    %while3A_42 = arith.constant 0 : i32
    %while3A_43 = arith.constant 0 : i32
    %while3A_44 = arith.subi %select_n3A, %while3A_43 : i32
    %while3A_45 = arith.addi %while3A_43, %while3A_44 : i32
    %while3A_46 = arith.constant 1 : i32
    %while3A_47 = arith.divsi %while3A_44, %while3A_46 : i32
    %while3A_48 = arith.muli %while3A_47, %while3A_46 : i32
    %while3A_49 = arith.addi %while3A_43, %while3A_48 : i32
    %while3A_50 = arith.constant 1 : i32
    scf.for %while3A_57 = %while3A_43 to %while3A_49 step %while3A_50  : i32 {
      %dma_wait3A = arith.constant 0 : i32
      %dma_wait3A_58 = arith.constant 0 : i32
      %dma_wait3A_59 = tpu.memref_slice %arg7[%dma_wait3A, %dma_wait3A_58] : memref<5120x16xf32, #tpu.memory_space<vmem>> -> memref<128x16xf32, #tpu.memory_space<vmem>>
      %dma_wait3A_60 = arith.constant 0 : i32
      %dma_wait3A_61 = arith.constant 0 : i32
      %dma_wait3A_62 = tpu.memref_slice %arg2[%dma_wait3A_60, %dma_wait3A_61] : memref<163840x16xf32, #tpu.memory_space<hbm>> -> memref<128x16xf32, #tpu.memory_space<hbm>>
      %dma_wait3A_63 = arith.constant 0 : i32
      %dma_wait3A_64 = arith.constant 0 : i32
      %dma_wait3A_65 = tpu.memref_slice %arg7[%dma_wait3A_63, %dma_wait3A_64] : memref<5120x16xf32, #tpu.memory_space<vmem>> -> memref<128x16xf32, #tpu.memory_space<vmem>>
      %dma_wait3A_66 = arith.constant 0 : i32
      %dma_wait3A_67 = arith.constant 0 : i32
      %dma_wait3A_68 = tpu.memref_slice %arg2[%dma_wait3A_66, %dma_wait3A_67] : memref<163840x16xf32, #tpu.memory_space<hbm>> -> memref<128x16xf32, #tpu.memory_space<hbm>>
      tpu.wait_dma2 semaphore(%arg9 : memref<!tpu.dma_semaphore, #tpu.memory_space<semaphore_mem>>) src(%dma_wait3A_68 : memref<128x16xf32, #tpu.memory_space<hbm>>) dst(%dma_wait3A_65 : memref<128x16xf32, #tpu.memory_space<vmem>>)
    }
    %while3A_51 = arith.constant 1 : i32
    scf.for %while3A_57 = %while3A_49 to %while3A_45 step %while3A_51  : i32 {
      %dma_wait3A = arith.constant 0 : i32
      %dma_wait3A_58 = arith.constant 0 : i32
      %dma_wait3A_59 = tpu.memref_slice %arg7[%dma_wait3A, %dma_wait3A_58] : memref<5120x16xf32, #tpu.memory_space<vmem>> -> memref<128x16xf32, #tpu.memory_space<vmem>>
      %dma_wait3A_60 = arith.constant 0 : i32
      %dma_wait3A_61 = arith.constant 0 : i32
      %dma_wait3A_62 = tpu.memref_slice %arg2[%dma_wait3A_60, %dma_wait3A_61] : memref<163840x16xf32, #tpu.memory_space<hbm>> -> memref<128x16xf32, #tpu.memory_space<hbm>>
      %dma_wait3A_63 = arith.constant 0 : i32
      %dma_wait3A_64 = arith.constant 0 : i32
      %dma_wait3A_65 = tpu.memref_slice %arg7[%dma_wait3A_63, %dma_wait3A_64] : memref<5120x16xf32, #tpu.memory_space<vmem>> -> memref<128x16xf32, #tpu.memory_space<vmem>>
      %dma_wait3A_66 = arith.constant 0 : i32
      %dma_wait3A_67 = arith.constant 0 : i32
      %dma_wait3A_68 = tpu.memref_slice %arg2[%dma_wait3A_66, %dma_wait3A_67] : memref<163840x16xf32, #tpu.memory_space<hbm>> -> memref<128x16xf32, #tpu.memory_space<hbm>>
      tpu.wait_dma2 semaphore(%arg9 : memref<!tpu.dma_semaphore, #tpu.memory_space<semaphore_mem>>) src(%dma_wait3A_68 : memref<128x16xf32, #tpu.memory_space<hbm>>) dst(%dma_wait3A_65 : memref<128x16xf32, #tpu.memory_space<vmem>>)
    }
    %barrier3A_52 = arith.constant 0 : index
    tpu.barrier barrier_id(%barrier3A_52)
    %mul3A_53 = arith.constant 625 : i32
    %mul3A_54 = arith.muli %arg1, %mul3A_53 : i32
    %mul3A_55 = arith.constant 625 : i32
    %mul3A_56 = arith.muli %arg1, %mul3A_55 : i32
    "tpu.region"() ({
      %run_scoped3A = tpu.sem_alloc : memref<!tpu.dma_semaphore, #tpu.memory_space<semaphore_mem>>
      %dma_start3A = arith.constant 0 : i32
      %dma_start3A_57 = tpu.memref_slice %arg5[%arg0, %mul3A_56, %dma_start3A] : memref<2x10000x16xf32, #tpu.memory_space<hbm>> -> memref<1x625x16xf32, #tpu.memory_space<hbm>>
      %dma_start3A_58 = tpu.memref_squeeze %dma_start3A_57 : memref<1x625x16xf32, #tpu.memory_space<hbm>> -> memref<625x16xf32, #tpu.memory_space<hbm>>
      %dma_start3A_59 = arith.constant 0 : i32
      %dma_start3A_60 = tpu.memref_slice %arg8[%mul3A_54, %dma_start3A_59] : memref<10000x16xf32, #tpu.memory_space<vmem_shared>> -> memref<625x16xf32, #tpu.memory_space<vmem_shared>>
      tpu.enqueue_dma source(%dma_start3A_60 : memref<625x16xf32, #tpu.memory_space<vmem_shared>>) target(%dma_start3A_58 : memref<625x16xf32, #tpu.memory_space<hbm>>) target_semaphore(%run_scoped3A : memref<!tpu.dma_semaphore, #tpu.memory_space<semaphore_mem>>)
      %dma_wait3A = arith.constant 0 : i32
      %dma_wait3A_61 = tpu.memref_slice %arg5[%arg0, %mul3A_56, %dma_wait3A] : memref<2x10000x16xf32, #tpu.memory_space<hbm>> -> memref<1x625x16xf32, #tpu.memory_space<hbm>>
      %dma_wait3A_62 = tpu.memref_squeeze %dma_wait3A_61 : memref<1x625x16xf32, #tpu.memory_space<hbm>> -> memref<625x16xf32, #tpu.memory_space<hbm>>
      %dma_wait3A_63 = arith.constant 0 : i32
      %dma_wait3A_64 = tpu.memref_slice %arg8[%mul3A_54, %dma_wait3A_63] : memref<10000x16xf32, #tpu.memory_space<vmem_shared>> -> memref<625x16xf32, #tpu.memory_space<vmem_shared>>
      tpu.wait_dma2 semaphore(%run_scoped3A : memref<!tpu.dma_semaphore, #tpu.memory_space<semaphore_mem>>) src(%dma_wait3A_64 : memref<625x16xf32, #tpu.memory_space<vmem_shared>>) dst(%dma_wait3A_62 : memref<625x16xf32, #tpu.memory_space<hbm>>)
      tpu.yield
    }) : () -> ()
    return
  }
}

module attributes {stable_mosaic.version = 14 : i64} {
  func.func @_edge_mlp_body(%arg0: i32, %arg1: memref<4096x16xf32, #tpu.memory_space<vmem>>, %arg2: memref<4096x16xf32, #tpu.memory_space<vmem>>, %arg3: memref<16x64xbf16, #tpu.memory_space<vmem>>, %arg4: memref<1x64xf32, #tpu.memory_space<vmem>>, %arg5: memref<64x256xbf16, #tpu.memory_space<vmem>>, %arg6: memref<1x256xf32, #tpu.memory_space<vmem>>, %arg7: memref<16x256xbf16, #tpu.memory_space<vmem>>, %arg8: memref<256x16xbf16, #tpu.memory_space<vmem>>, %arg9: memref<4096x16xf32, #tpu.memory_space<vmem>>) attributes {dimension_semantics = [#tpu.dimension_semantics<arbitrary>], iteration_bounds = array<i64: 40>, scalar_prefetch = 0 : i64, scratch_operands = 0 : i64, tpu.core_type = #tpu.core_type<tc>, window_params = [{transform_indices = @transform_0, window_bounds = array<i64: 4096, 16>}, {transform_indices = @transform_1, window_bounds = array<i64: 4096, 16>}, {pipeline_mode = #tpu.pipeline_mode<synchronous>, transform_indices = @transform_2, window_bounds = array<i64: 16, 64>}, {pipeline_mode = #tpu.pipeline_mode<synchronous>, transform_indices = @transform_3, window_bounds = array<i64: 1, 64>}, {pipeline_mode = #tpu.pipeline_mode<synchronous>, transform_indices = @transform_4, window_bounds = array<i64: 64, 256>}, {pipeline_mode = #tpu.pipeline_mode<synchronous>, transform_indices = @transform_5, window_bounds = array<i64: 1, 256>}, {pipeline_mode = #tpu.pipeline_mode<synchronous>, transform_indices = @transform_6, window_bounds = array<i64: 16, 256>}, {pipeline_mode = #tpu.pipeline_mode<synchronous>, transform_indices = @transform_7, window_bounds = array<i64: 256, 16>}, {transform_indices = @transform_8, window_bounds = array<i64: 4096, 16>}]} {
    %get3A = arith.constant 0 : index
    %get3A_0 = arith.constant 0 : index
    %get3A_1 = vector.load %arg1[%get3A, %get3A_0] : memref<4096x16xf32, #tpu.memory_space<vmem>>, vector<4096x16xf32>
    %convert_element_type3A = arith.truncf %get3A_1 : vector<4096x16xf32> to vector<4096x16xbf16>
    %get3A_2 = arith.constant 0 : index
    %get3A_3 = arith.constant 0 : index
    %get3A_4 = vector.load %arg2[%get3A_2, %get3A_3] : memref<4096x16xf32, #tpu.memory_space<vmem>>, vector<4096x16xf32>
    %convert_element_type3A_5 = arith.truncf %get3A_4 : vector<4096x16xf32> to vector<4096x16xbf16>
    %get3A_6 = arith.constant 0 : index
    %get3A_7 = arith.constant 0 : index
    %get3A_8 = vector.load %arg3[%get3A_6, %get3A_7] : memref<16x64xbf16, #tpu.memory_space<vmem>>, vector<16x64xbf16>
    %dot_general3A = arith.constant dense<0.000000e+00> : vector<4096x64xf32>
    %dot_general3A_9 = tpu.matmul %convert_element_type3A, %get3A_8, %dot_general3A {dimension_numbers = #tpu.dot_dimension_numbers<[1], [0], [0], [1], [0, 0, 1, 1], [], []>, transpose_lhs_hint = false} : vector<4096x16xbf16>, vector<16x64xbf16>, vector<4096x64xf32> -> vector<4096x64xf32>
    %get3A_10 = arith.constant 0 : index
    %get3A_11 = arith.constant 0 : index
    %get3A_12 = vector.load %arg4[%get3A_10, %get3A_11] : memref<1x64xf32, #tpu.memory_space<vmem>>, vector<1x64xf32>
    %add3A = vector.broadcast %get3A_12 : vector<1x64xf32> to vector<4096x64xf32>
    %add3A_13 = arith.addf %dot_general3A_9, %add3A : vector<4096x64xf32>
    %max3A = arith.constant 0.000000e+00 : f32
    %max3A_14 = vector.broadcast %max3A : f32 to vector<4096x64xf32>
    %max3A_15 = arith.maximumf %add3A_13, %max3A_14 : vector<4096x64xf32>
    %convert_element_type3A_16 = arith.truncf %max3A_15 : vector<4096x64xf32> to vector<4096x64xbf16>
    %get3A_17 = arith.constant 0 : index
    %get3A_18 = arith.constant 0 : index
    %get3A_19 = vector.load %arg5[%get3A_17, %get3A_18] : memref<64x256xbf16, #tpu.memory_space<vmem>>, vector<64x256xbf16>
    %dot_general3A_20 = arith.constant dense<0.000000e+00> : vector<4096x256xf32>
    %dot_general3A_21 = tpu.matmul %convert_element_type3A_16, %get3A_19, %dot_general3A_20 {dimension_numbers = #tpu.dot_dimension_numbers<[1], [0], [0], [1], [0, 0, 1, 1], [], []>, transpose_lhs_hint = false} : vector<4096x64xbf16>, vector<64x256xbf16>, vector<4096x256xf32> -> vector<4096x256xf32>
    %get3A_22 = arith.constant 0 : index
    %get3A_23 = arith.constant 0 : index
    %get3A_24 = vector.load %arg6[%get3A_22, %get3A_23] : memref<1x256xf32, #tpu.memory_space<vmem>>, vector<1x256xf32>
    %add3A_25 = vector.broadcast %get3A_24 : vector<1x256xf32> to vector<4096x256xf32>
    %add3A_26 = arith.addf %dot_general3A_21, %add3A_25 : vector<4096x256xf32>
    %get3A_27 = arith.constant 0 : index
    %get3A_28 = arith.constant 0 : index
    %get3A_29 = vector.load %arg7[%get3A_27, %get3A_28] : memref<16x256xbf16, #tpu.memory_space<vmem>>, vector<16x256xbf16>
    %dot_general3A_30 = arith.constant dense<0.000000e+00> : vector<4096x256xf32>
    %dot_general3A_31 = tpu.matmul %convert_element_type3A_5, %get3A_29, %dot_general3A_30 {dimension_numbers = #tpu.dot_dimension_numbers<[1], [0], [0], [1], [0, 0, 1, 1], [], []>, transpose_lhs_hint = false} : vector<4096x16xbf16>, vector<16x256xbf16>, vector<4096x256xf32> -> vector<4096x256xf32>
    %mul3A = arith.mulf %add3A_26, %dot_general3A_31 : vector<4096x256xf32>
    %convert_element_type3A_32 = arith.truncf %mul3A : vector<4096x256xf32> to vector<4096x256xbf16>
    %get3A_33 = arith.constant 0 : index
    %get3A_34 = arith.constant 0 : index
    %get3A_35 = vector.load %arg8[%get3A_33, %get3A_34] : memref<256x16xbf16, #tpu.memory_space<vmem>>, vector<256x16xbf16>
    %dot_general3A_36 = arith.constant dense<0.000000e+00> : vector<4096x16xf32>
    %dot_general3A_37 = tpu.matmul %convert_element_type3A_32, %get3A_35, %dot_general3A_36 {dimension_numbers = #tpu.dot_dimension_numbers<[1], [0], [0], [1], [0, 0, 1, 1], [], []>, transpose_lhs_hint = false} : vector<4096x256xbf16>, vector<256x16xbf16>, vector<4096x16xf32> -> vector<4096x16xf32>
    %swap3A = arith.constant 0 : index
    %swap3A_38 = arith.constant 0 : index
    %swap3A_39 = vector.load %arg9[%swap3A, %swap3A_38] : memref<4096x16xf32, #tpu.memory_space<vmem>>, vector<4096x16xf32>
    tpu.vector_store %arg9[%swap3A, %swap3A_38], %dot_general3A_37 {strides = array<i32>} : memref<4096x16xf32, #tpu.memory_space<vmem>>, vector<4096x16xf32>,
    return
  }
  func.func @transform_0(%arg0: i32) -> (i32, i32) {
    %c0_i32 = arith.constant 0 : i32
    %c0_i32_0 = arith.constant 0 : i32
    return %arg0, %c0_i32 : i32, i32
  }
  func.func @transform_1(%arg0: i32) -> (i32, i32) {
    %c0_i32 = arith.constant 0 : i32
    %c0_i32_0 = arith.constant 0 : i32
    return %arg0, %c0_i32 : i32, i32
  }
  func.func @transform_2(%arg0: i32) -> (i32, i32) {
    %c0_i32 = arith.constant 0 : i32
    %c0_i32_0 = arith.constant 0 : i32
    %c0_i32_1 = arith.constant 0 : i32
    return %c0_i32, %c0_i32_0 : i32, i32
  }
  func.func @transform_3(%arg0: i32) -> (i32, i32) {
    %c0_i32 = arith.constant 0 : i32
    %c0_i32_0 = arith.constant 0 : i32
    %c0_i32_1 = arith.constant 0 : i32
    return %c0_i32, %c0_i32_0 : i32, i32
  }
  func.func @transform_4(%arg0: i32) -> (i32, i32) {
    %c0_i32 = arith.constant 0 : i32
    %c0_i32_0 = arith.constant 0 : i32
    %c0_i32_1 = arith.constant 0 : i32
    return %c0_i32, %c0_i32_0 : i32, i32
  }
  func.func @transform_5(%arg0: i32) -> (i32, i32) {
    %c0_i32 = arith.constant 0 : i32
    %c0_i32_0 = arith.constant 0 : i32
    %c0_i32_1 = arith.constant 0 : i32
    return %c0_i32, %c0_i32_0 : i32, i32
  }
  func.func @transform_6(%arg0: i32) -> (i32, i32) {
    %c0_i32 = arith.constant 0 : i32
    %c0_i32_0 = arith.constant 0 : i32
    %c0_i32_1 = arith.constant 0 : i32
    return %c0_i32, %c0_i32_0 : i32, i32
  }
  func.func @transform_7(%arg0: i32) -> (i32, i32) {
    %c0_i32 = arith.constant 0 : i32
    %c0_i32_0 = arith.constant 0 : i32
    %c0_i32_1 = arith.constant 0 : i32
    return %c0_i32, %c0_i32_0 : i32, i32
  }
  func.func @transform_8(%arg0: i32) -> (i32, i32) {
    %c0_i32 = arith.constant 0 : i32
    %c0_i32_0 = arith.constant 0 : i32
    return %arg0, %c0_i32 : i32, i32
  }
}

module attributes {stable_mosaic.version = 14 : i64} {
  func.func @_node_body(%arg0: memref<2x1250x128xf32, #tpu.memory_space<vmem>>, %arg1: memref<2x1250x128xf32, #tpu.memory_space<vmem>>, %arg2: memref<1250x128xf32, #tpu.memory_space<vmem>>, %arg3: memref<128x128xf32, #tpu.memory_space<vmem>>, %arg4: memref<1x128xf32, #tpu.memory_space<vmem>>, %arg5: memref<128x128xf32, #tpu.memory_space<vmem>>, %arg6: memref<1x128xf32, #tpu.memory_space<vmem>>, %arg7: memref<1x128xf32, #tpu.memory_space<vmem>>, %arg8: memref<128x16xf32, #tpu.memory_space<vmem>>, %arg9: memref<1250x128xf32, #tpu.memory_space<vmem>>, %arg10: memref<1250x128xf32, #tpu.memory_space<vmem>>, %arg11: memref<1x1xf32, #tpu.memory_space<vmem>>) attributes {dimension_semantics = [], scalar_prefetch = 0 : i64, scratch_operands = 0 : i64, tpu.core_type = #tpu.core_type<tc>} {
    %get3A = arith.constant 0 : index
    %get3A_0 = arith.constant 0 : index
    %get3A_1 = arith.constant 0 : index
    %get3A_2 = vector.load %arg0[%get3A, %get3A_0, %get3A_1] : memref<2x1250x128xf32, #tpu.memory_space<vmem>>, vector<1x1250x128xf32>
    %get3A_3 = vector.shape_cast %get3A_2 : vector<1x1250x128xf32> to vector<1250x128xf32>
    %get3A_4 = arith.constant 1 : index
    %get3A_5 = arith.constant 0 : index
    %get3A_6 = arith.constant 0 : index
    %get3A_7 = vector.load %arg0[%get3A_4, %get3A_5, %get3A_6] : memref<2x1250x128xf32, #tpu.memory_space<vmem>>, vector<1x1250x128xf32>
    %get3A_8 = vector.shape_cast %get3A_7 : vector<1x1250x128xf32> to vector<1250x128xf32>
    %add3A = arith.addf %get3A_3, %get3A_8 : vector<1250x128xf32>
    %get3A_9 = arith.constant 0 : index
    %get3A_10 = arith.constant 0 : index
    %get3A_11 = arith.constant 0 : index
    %get3A_12 = vector.load %arg1[%get3A_9, %get3A_10, %get3A_11] : memref<2x1250x128xf32, #tpu.memory_space<vmem>>, vector<1x1250x128xf32>
    %get3A_13 = vector.shape_cast %get3A_12 : vector<1x1250x128xf32> to vector<1250x128xf32>
    %get3A_14 = arith.constant 1 : index
    %get3A_15 = arith.constant 0 : index
    %get3A_16 = arith.constant 0 : index
    %get3A_17 = vector.load %arg1[%get3A_14, %get3A_15, %get3A_16] : memref<2x1250x128xf32, #tpu.memory_space<vmem>>, vector<1x1250x128xf32>
    %get3A_18 = vector.shape_cast %get3A_17 : vector<1x1250x128xf32> to vector<1250x128xf32>
    %add3A_19 = arith.addf %get3A_13, %get3A_18 : vector<1250x128xf32>
    %max3A = arith.constant 1.000000e+00 : f32
    %max3A_20 = vector.broadcast %max3A : f32 to vector<1250x128xf32>
    %max3A_21 = arith.maximumf %add3A_19, %max3A_20 : vector<1250x128xf32>
    %div3A = arith.divf %add3A, %max3A_21 : vector<1250x128xf32>
    %get3A_22 = arith.constant 0 : index
    %get3A_23 = arith.constant 0 : index
    %get3A_24 = vector.load %arg2[%get3A_22, %get3A_23] : memref<1250x128xf32, #tpu.memory_space<vmem>>, vector<1250x128xf32>
    %get3A_25 = arith.constant 0 : index
    %get3A_26 = arith.constant 0 : index
    %get3A_27 = vector.load %arg3[%get3A_25, %get3A_26] : memref<128x128xf32, #tpu.memory_space<vmem>>, vector<128x128xf32>
    %dot_general3A = arith.constant dense<0.000000e+00> : vector<1250x128xf32>
    %dot_general3A_28 = tpu.matmul %get3A_24, %get3A_27, %dot_general3A {dimension_numbers = #tpu.dot_dimension_numbers<[1], [0], [0], [1], [0, 0, 1, 1], [], []>, transpose_lhs_hint = false} : vector<1250x128xf32>, vector<128x128xf32>, vector<1250x128xf32> -> vector<1250x128xf32>
    %add3A_29 = arith.addf %div3A, %dot_general3A_28 : vector<1250x128xf32>
    %get3A_30 = arith.constant 0 : index
    %get3A_31 = arith.constant 0 : index
    %get3A_32 = vector.load %arg4[%get3A_30, %get3A_31] : memref<1x128xf32, #tpu.memory_space<vmem>>, vector<1x128xf32>
    %add3A_33 = vector.broadcast %get3A_32 : vector<1x128xf32> to vector<1250x128xf32>
    %add3A_34 = arith.addf %add3A_29, %add3A_33 : vector<1250x128xf32>
    %max3A_35 = arith.constant 0.000000e+00 : f32
    %max3A_36 = vector.broadcast %max3A_35 : f32 to vector<1250x128xf32>
    %max3A_37 = arith.maximumf %add3A_34, %max3A_36 : vector<1250x128xf32>
    %get3A_38 = arith.constant 0 : index
    %get3A_39 = arith.constant 0 : index
    %get3A_40 = vector.load %arg5[%get3A_38, %get3A_39] : memref<128x128xf32, #tpu.memory_space<vmem>>, vector<128x128xf32>
    %dot_general3A_41 = arith.constant dense<0.000000e+00> : vector<1250x128xf32>
    %dot_general3A_42 = tpu.matmul %max3A_37, %get3A_40, %dot_general3A_41 {dimension_numbers = #tpu.dot_dimension_numbers<[1], [0], [0], [1], [0, 0, 1, 1], [], []>, transpose_lhs_hint = false} : vector<1250x128xf32>, vector<128x128xf32>, vector<1250x128xf32> -> vector<1250x128xf32>
    %sub3A = arith.subf %max3A_37, %dot_general3A_42 : vector<1250x128xf32>
    %mul3A = arith.mulf %sub3A, %sub3A : vector<1250x128xf32>
    %dot_general3A_43 = arith.constant dense<0.000000e+00> : vector<1250x128xf32>
    %dot_general3A_44 = tpu.matmul %mul3A, %get3A_40, %dot_general3A_43 {dimension_numbers = #tpu.dot_dimension_numbers<[1], [0], [0], [1], [0, 0, 1, 1], [], []>, transpose_lhs_hint = false} : vector<1250x128xf32>, vector<128x128xf32>, vector<1250x128xf32> -> vector<1250x128xf32>
    %add3A_45 = arith.constant 9.99999974E-6 : f32
    %add3A_46 = vector.broadcast %add3A_45 : f32 to vector<1250x128xf32>
    %add3A_47 = arith.addf %dot_general3A_44, %add3A_46 : vector<1250x128xf32>
    %sqrt3A = math.sqrt %add3A_47 : vector<1250x128xf32>
    %div3A_48 = arith.divf %sub3A, %sqrt3A : vector<1250x128xf32>
    %get3A_49 = arith.constant 0 : index
    %get3A_50 = arith.constant 0 : index
    %get3A_51 = vector.load %arg6[%get3A_49, %get3A_50] : memref<1x128xf32, #tpu.memory_space<vmem>>, vector<1x128xf32>
    %mul3A_52 = vector.broadcast %get3A_51 : vector<1x128xf32> to vector<1250x128xf32>
    %mul3A_53 = arith.mulf %div3A_48, %mul3A_52 : vector<1250x128xf32>
    %get3A_54 = arith.constant 0 : index
    %get3A_55 = arith.constant 0 : index
    %get3A_56 = vector.load %arg7[%get3A_54, %get3A_55] : memref<1x128xf32, #tpu.memory_space<vmem>>, vector<1x128xf32>
    %add3A_57 = vector.broadcast %get3A_56 : vector<1x128xf32> to vector<1250x128xf32>
    %add3A_58 = arith.addf %mul3A_53, %add3A_57 : vector<1250x128xf32>
    %swap3A = arith.constant 0 : index
    %swap3A_59 = arith.constant 0 : index
    %swap3A_60 = vector.load %arg9[%swap3A, %swap3A_59] : memref<1250x128xf32, #tpu.memory_space<vmem>>, vector<1250x128xf32>
    tpu.vector_store %arg9[%swap3A, %swap3A_59], %add3A_58 {strides = array<i32>} : memref<1250x128xf32, #tpu.memory_space<vmem>>, vector<1250x128xf32>,
    %swap3A_61 = arith.constant 0 : index
    %swap3A_62 = arith.constant 0 : index
    %swap3A_63 = vector.load %arg10[%swap3A_61, %swap3A_62] : memref<1250x128xf32, #tpu.memory_space<vmem>>, vector<1250x128xf32>
    tpu.vector_store %arg10[%swap3A_61, %swap3A_62], %add3A_19 {strides = array<i32>} : memref<1250x128xf32, #tpu.memory_space<vmem>>, vector<1250x128xf32>,
    return
  }
}

module attributes {stable_mosaic.version = 14 : i64} {
  func.func @_edge_mlp_body(%arg0: i32, %arg1: memref<4096x16xf32, #tpu.memory_space<vmem>>, %arg2: memref<4096x16xf32, #tpu.memory_space<vmem>>, %arg3: memref<16x128xbf16, #tpu.memory_space<vmem>>, %arg4: memref<1x128xf32, #tpu.memory_space<vmem>>, %arg5: memref<128x256xbf16, #tpu.memory_space<vmem>>, %arg6: memref<1x256xf32, #tpu.memory_space<vmem>>, %arg7: memref<16x256xbf16, #tpu.memory_space<vmem>>, %arg8: memref<256x16xbf16, #tpu.memory_space<vmem>>, %arg9: memref<4096x16xf32, #tpu.memory_space<vmem>>) attributes {dimension_semantics = [#tpu.dimension_semantics<arbitrary>], iteration_bounds = array<i64: 40>, scalar_prefetch = 0 : i64, scratch_operands = 0 : i64, tpu.core_type = #tpu.core_type<tc>, window_params = [{transform_indices = @transform_0, window_bounds = array<i64: 4096, 16>}, {transform_indices = @transform_1, window_bounds = array<i64: 4096, 16>}, {pipeline_mode = #tpu.pipeline_mode<synchronous>, transform_indices = @transform_2, window_bounds = array<i64: 16, 128>}, {pipeline_mode = #tpu.pipeline_mode<synchronous>, transform_indices = @transform_3, window_bounds = array<i64: 1, 128>}, {pipeline_mode = #tpu.pipeline_mode<synchronous>, transform_indices = @transform_4, window_bounds = array<i64: 128, 256>}, {pipeline_mode = #tpu.pipeline_mode<synchronous>, transform_indices = @transform_5, window_bounds = array<i64: 1, 256>}, {pipeline_mode = #tpu.pipeline_mode<synchronous>, transform_indices = @transform_6, window_bounds = array<i64: 16, 256>}, {pipeline_mode = #tpu.pipeline_mode<synchronous>, transform_indices = @transform_7, window_bounds = array<i64: 256, 16>}, {transform_indices = @transform_8, window_bounds = array<i64: 4096, 16>}]} {
    %get3A = arith.constant 0 : index
    %get3A_0 = arith.constant 0 : index
    %get3A_1 = vector.load %arg1[%get3A, %get3A_0] : memref<4096x16xf32, #tpu.memory_space<vmem>>, vector<4096x16xf32>
    %convert_element_type3A = arith.truncf %get3A_1 : vector<4096x16xf32> to vector<4096x16xbf16>
    %get3A_2 = arith.constant 0 : index
    %get3A_3 = arith.constant 0 : index
    %get3A_4 = vector.load %arg2[%get3A_2, %get3A_3] : memref<4096x16xf32, #tpu.memory_space<vmem>>, vector<4096x16xf32>
    %convert_element_type3A_5 = arith.truncf %get3A_4 : vector<4096x16xf32> to vector<4096x16xbf16>
    %get3A_6 = arith.constant 0 : index
    %get3A_7 = arith.constant 0 : index
    %get3A_8 = vector.load %arg3[%get3A_6, %get3A_7] : memref<16x128xbf16, #tpu.memory_space<vmem>>, vector<16x128xbf16>
    %dot_general3A = arith.constant dense<0.000000e+00> : vector<4096x128xf32>
    %dot_general3A_9 = tpu.matmul %convert_element_type3A, %get3A_8, %dot_general3A {dimension_numbers = #tpu.dot_dimension_numbers<[1], [0], [0], [1], [0, 0, 1, 1], [], []>, transpose_lhs_hint = false} : vector<4096x16xbf16>, vector<16x128xbf16>, vector<4096x128xf32> -> vector<4096x128xf32>
    %get3A_10 = arith.constant 0 : index
    %get3A_11 = arith.constant 0 : index
    %get3A_12 = vector.load %arg4[%get3A_10, %get3A_11] : memref<1x128xf32, #tpu.memory_space<vmem>>, vector<1x128xf32>
    %add3A = vector.broadcast %get3A_12 : vector<1x128xf32> to vector<4096x128xf32>
    %add3A_13 = arith.addf %dot_general3A_9, %add3A : vector<4096x128xf32>
    %max3A = arith.constant 0.000000e+00 : f32
    %max3A_14 = vector.broadcast %max3A : f32 to vector<4096x128xf32>
    %max3A_15 = arith.maximumf %add3A_13, %max3A_14 : vector<4096x128xf32>
    %convert_element_type3A_16 = arith.truncf %max3A_15 : vector<4096x128xf32> to vector<4096x128xbf16>
    %get3A_17 = arith.constant 0 : index
    %get3A_18 = arith.constant 0 : index
    %get3A_19 = vector.load %arg5[%get3A_17, %get3A_18] : memref<128x256xbf16, #tpu.memory_space<vmem>>, vector<128x256xbf16>
    %dot_general3A_20 = arith.constant dense<0.000000e+00> : vector<4096x256xf32>
    %dot_general3A_21 = tpu.matmul %convert_element_type3A_16, %get3A_19, %dot_general3A_20 {dimension_numbers = #tpu.dot_dimension_numbers<[1], [0], [0], [1], [0, 0, 1, 1], [], []>, transpose_lhs_hint = false} : vector<4096x128xbf16>, vector<128x256xbf16>, vector<4096x256xf32> -> vector<4096x256xf32>
    %get3A_22 = arith.constant 0 : index
    %get3A_23 = arith.constant 0 : index
    %get3A_24 = vector.load %arg6[%get3A_22, %get3A_23] : memref<1x256xf32, #tpu.memory_space<vmem>>, vector<1x256xf32>
    %add3A_25 = vector.broadcast %get3A_24 : vector<1x256xf32> to vector<4096x256xf32>
    %add3A_26 = arith.addf %dot_general3A_21, %add3A_25 : vector<4096x256xf32>
    %get3A_27 = arith.constant 0 : index
    %get3A_28 = arith.constant 0 : index
    %get3A_29 = vector.load %arg7[%get3A_27, %get3A_28] : memref<16x256xbf16, #tpu.memory_space<vmem>>, vector<16x256xbf16>
    %dot_general3A_30 = arith.constant dense<0.000000e+00> : vector<4096x256xf32>
    %dot_general3A_31 = tpu.matmul %convert_element_type3A_5, %get3A_29, %dot_general3A_30 {dimension_numbers = #tpu.dot_dimension_numbers<[1], [0], [0], [1], [0, 0, 1, 1], [], []>, transpose_lhs_hint = false} : vector<4096x16xbf16>, vector<16x256xbf16>, vector<4096x256xf32> -> vector<4096x256xf32>
    %mul3A = arith.mulf %add3A_26, %dot_general3A_31 : vector<4096x256xf32>
    %convert_element_type3A_32 = arith.truncf %mul3A : vector<4096x256xf32> to vector<4096x256xbf16>
    %get3A_33 = arith.constant 0 : index
    %get3A_34 = arith.constant 0 : index
    %get3A_35 = vector.load %arg8[%get3A_33, %get3A_34] : memref<256x16xbf16, #tpu.memory_space<vmem>>, vector<256x16xbf16>
    %dot_general3A_36 = arith.constant dense<0.000000e+00> : vector<4096x16xf32>
    %dot_general3A_37 = tpu.matmul %convert_element_type3A_32, %get3A_35, %dot_general3A_36 {dimension_numbers = #tpu.dot_dimension_numbers<[1], [0], [0], [1], [0, 0, 1, 1], [], []>, transpose_lhs_hint = false} : vector<4096x256xbf16>, vector<256x16xbf16>, vector<4096x16xf32> -> vector<4096x16xf32>
    %swap3A = arith.constant 0 : index
    %swap3A_38 = arith.constant 0 : index
    %swap3A_39 = vector.load %arg9[%swap3A, %swap3A_38] : memref<4096x16xf32, #tpu.memory_space<vmem>>, vector<4096x16xf32>
    tpu.vector_store %arg9[%swap3A, %swap3A_38], %dot_general3A_37 {strides = array<i32>} : memref<4096x16xf32, #tpu.memory_space<vmem>>, vector<4096x16xf32>,
    return
  }
  func.func @transform_0(%arg0: i32) -> (i32, i32) {
    %c0_i32 = arith.constant 0 : i32
    %c0_i32_0 = arith.constant 0 : i32
    return %arg0, %c0_i32 : i32, i32
  }
  func.func @transform_1(%arg0: i32) -> (i32, i32) {
    %c0_i32 = arith.constant 0 : i32
    %c0_i32_0 = arith.constant 0 : i32
    return %arg0, %c0_i32 : i32, i32
  }
  func.func @transform_2(%arg0: i32) -> (i32, i32) {
    %c0_i32 = arith.constant 0 : i32
    %c0_i32_0 = arith.constant 0 : i32
    %c0_i32_1 = arith.constant 0 : i32
    return %c0_i32, %c0_i32_0 : i32, i32
  }
  func.func @transform_3(%arg0: i32) -> (i32, i32) {
    %c0_i32 = arith.constant 0 : i32
    %c0_i32_0 = arith.constant 0 : i32
    %c0_i32_1 = arith.constant 0 : i32
    return %c0_i32, %c0_i32_0 : i32, i32
  }
  func.func @transform_4(%arg0: i32) -> (i32, i32) {
    %c0_i32 = arith.constant 0 : i32
    %c0_i32_0 = arith.constant 0 : i32
    %c0_i32_1 = arith.constant 0 : i32
    return %c0_i32, %c0_i32_0 : i32, i32
  }
  func.func @transform_5(%arg0: i32) -> (i32, i32) {
    %c0_i32 = arith.constant 0 : i32
    %c0_i32_0 = arith.constant 0 : i32
    %c0_i32_1 = arith.constant 0 : i32
    return %c0_i32, %c0_i32_0 : i32, i32
  }
  func.func @transform_6(%arg0: i32) -> (i32, i32) {
    %c0_i32 = arith.constant 0 : i32
    %c0_i32_0 = arith.constant 0 : i32
    %c0_i32_1 = arith.constant 0 : i32
    return %c0_i32, %c0_i32_0 : i32, i32
  }
  func.func @transform_7(%arg0: i32) -> (i32, i32) {
    %c0_i32 = arith.constant 0 : i32
    %c0_i32_0 = arith.constant 0 : i32
    %c0_i32_1 = arith.constant 0 : i32
    return %c0_i32, %c0_i32_0 : i32, i32
  }
  func.func @transform_8(%arg0: i32) -> (i32, i32) {
    %c0_i32 = arith.constant 0 : i32
    %c0_i32_0 = arith.constant 0 : i32
    return %arg0, %c0_i32 : i32, i32
  }
}

module attributes {stable_mosaic.version = 14 : i64} {
  func.func @_node_body(%arg0: memref<2x1250x128xf32, #tpu.memory_space<vmem>>, %arg1: memref<1250x128xf32, #tpu.memory_space<vmem>>, %arg2: memref<1250x128xf32, #tpu.memory_space<vmem>>, %arg3: memref<128x128xf32, #tpu.memory_space<vmem>>, %arg4: memref<1x128xf32, #tpu.memory_space<vmem>>, %arg5: memref<128x128xf32, #tpu.memory_space<vmem>>, %arg6: memref<1x128xf32, #tpu.memory_space<vmem>>, %arg7: memref<1x128xf32, #tpu.memory_space<vmem>>, %arg8: memref<128x16xf32, #tpu.memory_space<vmem>>, %arg9: memref<1x1xf32, #tpu.memory_space<vmem>>, %arg10: memref<1x1xf32, #tpu.memory_space<vmem>>, %arg11: memref<1x16xf32, #tpu.memory_space<vmem>>) attributes {dimension_semantics = [], scalar_prefetch = 0 : i64, scratch_operands = 0 : i64, tpu.core_type = #tpu.core_type<tc>} {
    %get3A = arith.constant 0 : index
    %get3A_0 = arith.constant 0 : index
    %get3A_1 = arith.constant 0 : index
    %get3A_2 = vector.load %arg0[%get3A, %get3A_0, %get3A_1] : memref<2x1250x128xf32, #tpu.memory_space<vmem>>, vector<1x1250x128xf32>
    %get3A_3 = vector.shape_cast %get3A_2 : vector<1x1250x128xf32> to vector<1250x128xf32>
    %get3A_4 = arith.constant 1 : index
    %get3A_5 = arith.constant 0 : index
    %get3A_6 = arith.constant 0 : index
    %get3A_7 = vector.load %arg0[%get3A_4, %get3A_5, %get3A_6] : memref<2x1250x128xf32, #tpu.memory_space<vmem>>, vector<1x1250x128xf32>
    %get3A_8 = vector.shape_cast %get3A_7 : vector<1x1250x128xf32> to vector<1250x128xf32>
    %add3A = arith.addf %get3A_3, %get3A_8 : vector<1250x128xf32>
    %get3A_9 = arith.constant 0 : index
    %get3A_10 = arith.constant 0 : index
    %get3A_11 = vector.load %arg1[%get3A_9, %get3A_10] : memref<1250x128xf32, #tpu.memory_space<vmem>>, vector<1250x128xf32>
    %max3A = arith.constant 1.000000e+00 : f32
    %max3A_12 = vector.broadcast %max3A : f32 to vector<1250x128xf32>
    %max3A_13 = arith.maximumf %get3A_11, %max3A_12 : vector<1250x128xf32>
    %div3A = arith.divf %add3A, %max3A_13 : vector<1250x128xf32>
    %get3A_14 = arith.constant 0 : index
    %get3A_15 = arith.constant 0 : index
    %get3A_16 = vector.load %arg2[%get3A_14, %get3A_15] : memref<1250x128xf32, #tpu.memory_space<vmem>>, vector<1250x128xf32>
    %get3A_17 = arith.constant 0 : index
    %get3A_18 = arith.constant 0 : index
    %get3A_19 = vector.load %arg3[%get3A_17, %get3A_18] : memref<128x128xf32, #tpu.memory_space<vmem>>, vector<128x128xf32>
    %dot_general3A = arith.constant dense<0.000000e+00> : vector<1250x128xf32>
    %dot_general3A_20 = tpu.matmul %get3A_16, %get3A_19, %dot_general3A {dimension_numbers = #tpu.dot_dimension_numbers<[1], [0], [0], [1], [0, 0, 1, 1], [], []>, transpose_lhs_hint = false} : vector<1250x128xf32>, vector<128x128xf32>, vector<1250x128xf32> -> vector<1250x128xf32>
    %add3A_21 = arith.addf %div3A, %dot_general3A_20 : vector<1250x128xf32>
    %get3A_22 = arith.constant 0 : index
    %get3A_23 = arith.constant 0 : index
    %get3A_24 = vector.load %arg4[%get3A_22, %get3A_23] : memref<1x128xf32, #tpu.memory_space<vmem>>, vector<1x128xf32>
    %add3A_25 = vector.broadcast %get3A_24 : vector<1x128xf32> to vector<1250x128xf32>
    %add3A_26 = arith.addf %add3A_21, %add3A_25 : vector<1250x128xf32>
    %max3A_27 = arith.constant 0.000000e+00 : f32
    %max3A_28 = vector.broadcast %max3A_27 : f32 to vector<1250x128xf32>
    %max3A_29 = arith.maximumf %add3A_26, %max3A_28 : vector<1250x128xf32>
    %get3A_30 = arith.constant 0 : index
    %get3A_31 = arith.constant 0 : index
    %get3A_32 = vector.load %arg5[%get3A_30, %get3A_31] : memref<128x128xf32, #tpu.memory_space<vmem>>, vector<128x128xf32>
    %dot_general3A_33 = arith.constant dense<0.000000e+00> : vector<1250x128xf32>
    %dot_general3A_34 = tpu.matmul %max3A_29, %get3A_32, %dot_general3A_33 {dimension_numbers = #tpu.dot_dimension_numbers<[1], [0], [0], [1], [0, 0, 1, 1], [], []>, transpose_lhs_hint = false} : vector<1250x128xf32>, vector<128x128xf32>, vector<1250x128xf32> -> vector<1250x128xf32>
    %sub3A = arith.subf %max3A_29, %dot_general3A_34 : vector<1250x128xf32>
    %mul3A = arith.mulf %sub3A, %sub3A : vector<1250x128xf32>
    %dot_general3A_35 = arith.constant dense<0.000000e+00> : vector<1250x128xf32>
    %dot_general3A_36 = tpu.matmul %mul3A, %get3A_32, %dot_general3A_35 {dimension_numbers = #tpu.dot_dimension_numbers<[1], [0], [0], [1], [0, 0, 1, 1], [], []>, transpose_lhs_hint = false} : vector<1250x128xf32>, vector<128x128xf32>, vector<1250x128xf32> -> vector<1250x128xf32>
    %add3A_37 = arith.constant 9.99999974E-6 : f32
    %add3A_38 = vector.broadcast %add3A_37 : f32 to vector<1250x128xf32>
    %add3A_39 = arith.addf %dot_general3A_36, %add3A_38 : vector<1250x128xf32>
    %sqrt3A = math.sqrt %add3A_39 : vector<1250x128xf32>
    %div3A_40 = arith.divf %sub3A, %sqrt3A : vector<1250x128xf32>
    %get3A_41 = arith.constant 0 : index
    %get3A_42 = arith.constant 0 : index
    %get3A_43 = vector.load %arg6[%get3A_41, %get3A_42] : memref<1x128xf32, #tpu.memory_space<vmem>>, vector<1x128xf32>
    %mul3A_44 = vector.broadcast %get3A_43 : vector<1x128xf32> to vector<1250x128xf32>
    %mul3A_45 = arith.mulf %div3A_40, %mul3A_44 : vector<1250x128xf32>
    %get3A_46 = arith.constant 0 : index
    %get3A_47 = arith.constant 0 : index
    %get3A_48 = vector.load %arg7[%get3A_46, %get3A_47] : memref<1x128xf32, #tpu.memory_space<vmem>>, vector<1x128xf32>
    %add3A_49 = vector.broadcast %get3A_48 : vector<1x128xf32> to vector<1250x128xf32>
    %add3A_50 = arith.addf %mul3A_45, %add3A_49 : vector<1250x128xf32>
    %reduce_sum3A = arith.constant dense<0.000000e+00> : vector<128xf32>
    %reduce_sum3A_51 = vector.multi_reduction <add>, %add3A_50, %reduce_sum3A [0] : vector<1250x128xf32> to vector<128xf32>
    %broadcast_in_dim3A = vector.shape_cast %reduce_sum3A_51 : vector<128xf32> to vector<1x128xf32>
    %get3A_52 = arith.constant 0 : index
    %get3A_53 = arith.constant 0 : index
    %get3A_54 = vector.load %arg8[%get3A_52, %get3A_53] : memref<128x16xf32, #tpu.memory_space<vmem>>, vector<128x16xf32>
    %dot_general3A_55 = arith.constant dense<0.000000e+00> : vector<1x16xf32>
    %dot_general3A_56 = tpu.matmul %broadcast_in_dim3A, %get3A_54, %dot_general3A_55 {dimension_numbers = #tpu.dot_dimension_numbers<[1], [0], [0], [1], [0, 0, 1, 1], [], []>, transpose_lhs_hint = false} : vector<1x128xf32>, vector<128x16xf32>, vector<1x16xf32> -> vector<1x16xf32>
    %mul3A_57 = arith.constant 9.99999974E-5 : f32
    %mul3A_58 = vector.broadcast %mul3A_57 : f32 to vector<1x16xf32>
    %mul3A_59 = arith.mulf %dot_general3A_56, %mul3A_58 : vector<1x16xf32>
    %swap3A = arith.constant 0 : index
    %swap3A_60 = arith.constant 0 : index
    %swap3A_61 = vector.load %arg11[%swap3A, %swap3A_60] : memref<1x16xf32, #tpu.memory_space<vmem>>, vector<1x16xf32>
    tpu.vector_store %arg11[%swap3A, %swap3A_60], %mul3A_59 {strides = array<i32>} : memref<1x16xf32, #tpu.memory_space<vmem>>, vector<1x16xf32>,
    return
  }
}

</mosaic_0001>

<sc_bundles>
// kernel: kernel.10.cloned.1.call-start
scs
__scs_entry_jumppad:
0x0: {  	(pc) =	sbr.rel $0x88, $3  }
0x1: {  	(tag) =	ssettag $0x0;
	lr =	simm.s32 $0x1  }
0x2: {  	[smem:$0x3F8E] =	sst lr;
	_ =	strace $0xD0000000  }
0x3: {  	_ = 	snop  }
0x4: {  	_ = 	snop  }
0x5: {  	_ = 	snop  }
0x6: {  	_ = 	snop  }
0x7: {  	_ = 	snop  }
__scs_overlays_trampoline_lowered:
0x8: {  	[smem:$0x3F9D] =	sst s0  }
0x9: {  	[smem:$0x3F9E] =	sst s1  }
0xa: {  	[smem:$0x3F9F] =	sst s2  }
0xb: {  	[smem:$0x3FA0] =	sst s3  }
0xc: {  	[smem:$0x3FA1] =	sst s4  }
0xd: {  	[smem:$0x3FA2] =	sst s5  }
0xe: {  	[smem:$0x3FA3] =	sst s6  }
0xf: {  	[smem:$0x3FA4] =	sst s7  }
0x10: {  	[smem:$0x3FA5] =	sst s8  }
0x11: {  	[smem:$0x3FA6] =	sst s9;
	s0 =	simm.s32 @!p0 $0x0  }
0x12: {  	s1 =	sld [smem:$0x3F8C];
	s0 =	simm.s32 @p0 $0x1  }
0x13: {  	[smem:$0x3FA7] =	sst s0;
	s0 =	simm.s32 @!p1 $0x0  }
0x14: {  	s2 =	sld [smem:$0x3F8B];
	s0 =	simm.s32 @p1 $0x1  }
0x15: {  	[smem:$0x3FA8] =	sst s0;
	s0 =	simm.s32 @!p2 $0x0  }
0x16: {  	s3 =	sld [smem:$0x3FDB];
	s0 =	simm.s32 @p2 $0x1  }
0x17: {  	s4 =	simm.s32 $0x1BF5;
	[smem:$0x3FAA] =	sst s0  }
0x18: {  	s0 =	sld [smem:$0x3F8D];
	_ =	swait.ge [sflag:s4], $0x0  }
0x19: {  	s7 =	sld [smem:$0x3F8E]  }
0x1a: {  	s8 =	sadd.s32 $0xFFFFE003, lr  }
0x1b: {  	s9 =	sadd.s32 $0xFFFFFEF7, lr;
	s5 =	simm.s32 $0xFFFFFFFF;
	p2 =	slt.u32 s8, $0xFFFFF086  }
0x1c: {  	p1 =	slt.u32 s9, $0xF7A;
	s5 =	simm.s32 @!p2 $0x0  }
0x1d: {  	s5 =	simm.s32 @p1 $0x1;
	p0 =	seq.s32 s7, s2  }
0x1e: {  	s7 =	smul.u32 @!p0 $0xF7A, s2;
	p2 =	seq.s32 @!p0 s5, $0x0  }
0x1f: {  	s9 =	smul.u32 $0xF7A, s1;
	s8 =	simm.s32 @!p0 $0x1BF5;
	p2 =	por !p2, p0  }
0x20: {  	[sflag:s8] =	ssyncset.s32 @!p0 $0xFFFFF086;
	s6 =	sadd.s32 @!p0 s3, s7;
	s7 =	simm.s32 @!p0 $0x108  }
0x21: {  	s3 =	sadd.s32 s3, s9;
	s6 =	sadd.s32 @!p0 $0x88, s6;
	s7 =	simm.s32 @p2 $0x1082  }
0x22: {  	[simem:s7], [sflag:s8] =	dma.local @!p0 [hbm:s6], $0xF7A  }
0x23: {  	s9 =	sor.u32 $0xD0000000, s2;
	s6 =	simm.s32 $0x108;
	_ =	swait.ge @!p0 [sflag:s8], $0x0  }
0x24: {  	s3 =	sadd.s32 $0x88, s3;
	s6 =	simm.s32 @!p1 $0x1082;
	[sflag:s4] =	ssyncset.s32 $0xFFFFF086  }
0x25: {  	[simem:s6], [sflag:s4] =	dma.local [hbm:s3], $0xF7A  }
0x26: {  	[smem:$0x3F8E] =	sst s1;
	(tag) =	ssettag s2;
	_ =	strace s9  }
0x27: {  	s1 =	sld [smem:$0x3F9E]  }
0x28: {  	s2 =	sld [smem:$0x3F9F]  }
0x29: {  	s4 =	sld [smem:$0x3FA1]  }
0x2a: {  	p0 =	seq.s32 s5, $0x0;
	s5 =	sld [smem:$0x3FA2]  }
0x2b: {  	s6 =	sld [smem:$0x3FA3]  }
0x2c: {  	s7 =	sld [smem:$0x3FA4]  }
0x2d: {  	s3 =	simm.s32 $0x108;
	s8 =	sld [smem:$0x3FA5]  }
0x2e: {  	s3 =	simm.s32 @!p0 $0x1082;
	s9 =	sld [smem:$0x3FA6]  }
0x2f: {  	lr =	sadd.s32 s0, s3;
	s0 =	sld [smem:$0x3F9D]  }
0x30: {  	s3 =	sld [smem:$0x3FA0]  }
0x31: {  	[smem:$0x3FA9] =	sst s10  }
0x32: {  	s10 =	sld [smem:$0x3FA7];
	_ =	sdelay $0x3  }
0x33: {  	p0 =	seq.s32 s10, $0x1;
	s10 =	sld [smem:$0x3FA9];
	_ =	sdelay $0x3  }
0x34: {  	[smem:$0x3FA9] =	sst s10  }
0x35: {  	s10 =	sld [smem:$0x3FA8];
	_ =	sdelay $0x3  }
0x36: {  	p1 =	seq.s32 s10, $0x1;
	s10 =	sld [smem:$0x3FA9];
	_ =	sdelay $0x3  }
0x37: {  	[smem:$0x3FA9] =	sst s10  }
0x38: {  	s10 =	sld [smem:$0x3FAA]  }
0x39: {  	_ = 	snop;
	(pc) =	sbr.ind lr, $3  }
0x3a: {  	_ = 	snop  }
0x3b: {  	_ = 	snop  }
0x3c: {  	p2 =	seq.s32 s10, $0x1;
	s10 =	sld [smem:$0x3FA9]  }
0x3d: {  	_ =	shalt  }
0x3e: {  	_ =	shalt  }
0x3f: {  	_ =	shalt  }
0x40: {  	_ =	shalt  }
0x41: {  	_ =	shalt  }
0x42: {  	_ =	shalt  }
0x43: {  	_ =	shalt  }
0x44: {  	_ =	shalt  }
0x45: {  	_ =	shalt  }
0x46: {  	_ =	shalt  }
0x47: {  	_ =	shalt  }
0x48: {  	_ =	shalt  }
0x49: {  	_ =	shalt  }
0x4a: {  	_ =	shalt  }
0x4b: {  	_ =	shalt  }
0x4c: {  	_ =	shalt  }
0x4d: {  	_ =	shalt  }
0x4e: {  	_ =	shalt  }
0x4f: {  	_ =	shalt  }
0x50: {  	_ =	shalt  }
0x51: {  	_ =	shalt  }
0x52: {  	_ =	shalt  }
0x53: {  	_ =	shalt  }
0x54: {  	_ =	shalt  }
0x55: {  	_ =	shalt  }
0x56: {  	_ =	shalt  }
0x57: {  	_ =	shalt  }
0x58: {  	_ =	shalt  }
0x59: {  	_ =	shalt  }
0x5a: {  	_ =	shalt  }
0x5b: {  	_ =	shalt  }
0x5c: {  	_ =	shalt  }
0x5d: {  	_ =	shalt  }
0x5e: {  	_ =	shalt  }
0x5f: {  	_ =	shalt  }
0x60: {  	_ =	shalt  }
0x61: {  	_ =	shalt  }
0x62: {  	_ =	shalt  }
0x63: {  	_ =	shalt  }
0x64: {  	_ =	shalt  }
0x65: {  	_ =	shalt  }
0x66: {  	_ =	shalt  }
0x67: {  	_ =	shalt  }
0x68: {  	_ =	shalt  }
0x69: {  	_ =	shalt  }
0x6a: {  	_ =	shalt  }
0x6b: {  	_ =	shalt  }
0x6c: {  	_ =	shalt  }
0x6d: {  	_ =	shalt  }
0x6e: {  	_ =	shalt  }
0x6f: {  	_ =	shalt  }
0x70: {  	_ =	shalt  }
0x71: {  	_ =	shalt  }
0x72: {  	_ =	shalt  }
0x73: {  	_ =	shalt  }
0x74: {  	_ =	shalt  }
0x75: {  	_ =	shalt  }
0x76: {  	_ =	shalt  }
0x77: {  	_ =	shalt  }
0x78: {  	_ =	shalt  }
0x79: {  	_ =	shalt  }
0x7a: {  	_ =	shalt  }
0x7b: {  	_ =	shalt  }
0x7c: {  	_ =	shalt  }
0x7d: {  	_ =	shalt  }
0x7e: {  	_ =	shalt  }
0x7f: {  	_ =	shalt  }
0x80: {  	_ =	shalt  }
0x81: {  	_ =	shalt  }
0x82: {  	_ =	shalt  }
0x83: {  	_ =	shalt  }
0x84: {  	_ =	shalt  }
0x85: {  	_ =	shalt  }
0x86: {  	_ =	shalt  }
0x87: {  	_ =	shalt  }
.Lfunc_end0:
.L_simem_size_0:
called_computation_lowered:
.L_overlay_start_0:
0x88: {  	s2 =	sld [smem:$0x3FD9]  }
0x89: {  	s3 =	sld [smem:$0x3FFE];
	_ =	sdelay $0x1  }
0x8a: {  	s1 =	srdreg.scid  }
0x8b: {  	s0 =	sand.u32 $0x1, s1  }
0x8c: {  	s16 =	sshll.u32 s0, $0xA;
	s2 =	sadd.s32 s3, s2  }
0x8d: {  	s2 =	sadd.s32 s2, s16  }
0x8e: {  	[smem:$0x3FB5] =	sst s2  }
0x8f: {  	_ = 	snop  }
0x90: {  	(tm) =	ssettm $0x1  }
0x91: {  	s17 =	sld [smem:$0x3FFB];
	_ =	sdelay $0x3  }
0x92: {  	_ =	strace s17  }
0x93: {  	s2 =	sld [smem:$0x3FFC];
	_ =	sdelay $0x3  }
0x94: {  	_ =	strace s2  }
0x95: {  	s2 =	sld [smem:$0x3FFD];
	_ =	sdelay $0x3  }
0x96: {  	_ =	strace s2  }
0x97: {  	_ =	strace $0x8FFFFFFF  }
0x98: {  	s18 =	sld [smem:$0x3FDB];
	_ =	sdelay $0x1  }
0x99: {  	s19 =	simm.s32 $_scs_section_size  }
0x9a: {  	s4 =	simm.s32 $_size__tile_overlayer_lowered;
	s5 =	simm.s32 $_tile_overlayer_lowered  }
0x9b: {  	s22 =	simm.s32 $0x1BFF;
	s21 =	sshll.u32 s5, $0x1;
	s2 =	sadd.s32 s19, s18  }
0x9c: {  	s6 =	simm.s32 $0x0;
	s20 =	sshll.u32 s4, $0x1;
	s4 =	sadd.s32 s21, s2  }
0x9d: {  	[timem:s6], [sflag:s22] =	dma.local [hbm:s4], s20  }
0x9e: {  	_ =	swait.ge [sflag:s22], s20  }
0x9f: {  	s3 =	ssub.s32 $0x0, s20;
	[sflag:s22] =	ssyncset.done $0x0  }
0xa0: {  	[sflag:s22] =	ssyncadd.s32 s3;
	_ =	sdelay $0x1  }
0xa1: {  	s23 =	simm.s32 $0x1B8B  }
0xa2: {  	_ =	swait.ge [sflag:s23], $0x1  }
0xa3: {  	[sflag:s23] =	ssyncset.done $0x0  }
0xa4: {  	s25 =	simm.s32 $0x1B8E;
	s24 =	sld [smem:$0x3FFE];
	[sflag:s23] =	ssyncadd.s32 $0xFFFFFFFF  }
0xa5: {  	s26 =	simm.s32 $execute0_lowered;
	[smem:$0x3FD2] =	sst s25  }
0xa6: {  	s4 =	sshll.u32 s26, $0x1;
	_ =	strace $0x80000046;
	[dreg:$0x1] =	wrdreg $0xFFFFFFFF  }
0xa7: {  	s28 =	simm.s32 $_size_execute0_lowered;
	s2 =	sadd.s32 s2, s4;
	[dreg:$0x0] =	wrdreg $0x0  }
0xa8: {  	s4 =	sshll.u32 s28, $0x1;
	[dreg:$0x2] =	wrdreg s2  }
0xa9: {  	[dreg:$0x3] =	wrdreg s4  }
0xaa: {  	[dreg:$0x4] =	wrdreg $0xC0  }
0xab: {  	_ =	task [dreg:s6], $0x5FFFF  }
0xac: {  	[dreg:$0x1] =	wrdreg $0xFFFFFFFF  }
0xad: {  	[dreg:$0x0] =	wrdreg $0x60  }
0xae: {  	[dreg:$0x2] =	wrdreg s24  }
0xaf: {  	[dreg:$0x3] =	wrdreg $0x170000  }
0xb0: {  	[dreg:$0x4] =	wrdreg $0x9  }
0xb1: {  	_ =	task.clear_ibuf [dreg:s6], $0x5FFFF;
	_ =	strace $0x90000046  }
0xb2: {  	s29 =	simm.s32 $0x9;
	_ =	strace $0x80000048  }
0xb3: {  	_ =	swait.ge [sflag:s29], $0x1  }
0xb4: {  	[sflag:s29] =	ssyncadd.s32 $0xFFFFFFFF  }
0xb5: {  	_ =	strace $0x90000048  }
0xb6: {  	_ =	sfence  }
0xb7: {  	s30 =	sld [smem:$0x0];
	_ =	sdelay $0x2  }
0xb8: {  	s31 =	sshll.u32 s1, $0xD;
	s1 =	sshrl.u32 s1, $0x2  }
0xb9: {  	s3 =	sand.u32 $0x4000, s31;
	s1 =	sadd.s32 s1, s30  }
0xba: {  	s0 =	sor.u32 s3, s0;
	s1 =	sshll.u32 s1, $0x11  }
0xbb: {  	s0 =	sor.u32 s1, s0  }
0xbc: {  	s0 =	sadd.s32 $0x8F2B, s0  }
0xbd: {  	[sflag:s0] =	ssyncadd.remote.s32 $0x1  }
0xbe: {  	_ =	sfence.sel $0xFFFF  }
0xbf: {  	[dreg:$0x0] =	wrdreg $0xFFFFFFFF;
	(pc) =	sbr.abs _section_cstart, $3  }
0xc0: {  	[dreg:$0x1] =	wrdreg $0xFFFFFFFF  }
0xc1: {  	_ =	task.clear_ibuf [dreg:s6], $0x2FFFF;
	_ =	strace $0x9FFFFFFF  }
0xc2: {  	(tm) =	ssettm $0x7FFFFFFF  }
0xc3: {  	_ =	shalt  }
tec
execute0_lowered:
.L_overlay_start_1:
0x0: {  	(tag) =	ssettag $0x1  }
0x1: {  	s6 =	rddreg [dreg:$0x0]  }
0x2: {  	s2 =	rddreg [dreg:$0x1]  }
0x3: {  	s0 =	rddreg [dreg:$0x2];
	s4 =	srdreg.scid  }
0x4: {  	s1 =	stileid.u32;
	s3 =	simm.s32 $0x0;
	s17 =	simm.s32 $0x16800  }
0x5: {  	s18 =	simm.s32 $0x80;
	s19 =	simm.s32 $0x1;
	s20 =	simm.s32 $0x2800  }
0x6: {  	s21 =	simm.s32 $0x2;
	s22 =	simm.s32 $0x0;
	s8 =	smul.u32 $0x2710, s1  }
0x7: {  	s7 =	sand.u32 $0x1, s4;
	s25 =	sshll.u32 s1, $0x1;
	s14 =	smul.u32 $0xFFFFD800, s1  }
0x8: {  	[smem:$0x7FF] =	sst s3;
	s4 =	sadd.s32 $0x36A00, s6;
	s11 =	smul.u32 $0x27100, s7  }
0x9: {  	s31 =	sshll.u32 s1, $0x6;
	s5 =	sor.u32 s7, s25;
	s13 =	smul.u32 $0xFFFFEC00, s7  }
0xa: {  	_ =	strace $0x80000047;
	s7 =	ssub.s32 $0x2, s7;
	s9 =	smul.u32 $0x280, s5  }
0xb: {  	s10 =	sshrl.u32 s8, $0x3;
	s12 =	smul.u32 $0x2800, s5;
	s5 =	sadd.s32 $0x3BA00, s6  }
0xc: {  	s26 =	sshrl.u32 s7, $0x1;
	s16 =	sadd.s32 s8, s2;
	s10 =	sadd.s32 s10, s6  }
0xd: {  	s11 =	sadd.s32 s8, s11;
	s15 =	ssub.s32 s7, s26;
	s13 =	sadd.s32 s14, s13  }
0xe: {  	s14 =	simm.s32 $0x3;
	s16 =	sshrl.u32 s16, $0x3;
	s9 =	sadd.s32 s9, s6  }
0xf: {  	s11 =	sshrl.u32 s11, $0x3;
	s12 =	sadd.s32 s12, s6;
	s7 =	sadd.s32 $0x3BC00, s10  }
0x10: {  	s28 =	sadd.s32 $0x27100, s13;
	s11 =	sadd.s32 s11, s6;
	s6 =	sadd.s32 $0x5800, s9  }
0x11: {  	s8 =	sadd.s32 $0xA800, s9;
	s9 =	sadd.s32 $0x40C00, s12;
	s29 =	smin.u32 s28, $0x1400  }
0x12: {  	s10 =	sadd.s32 $0x90C00, s11;
	s30 =	sshrl.u32 s29, $0x7;
	s11 =	smax.u32 s15, $0x1  }
0x13: {  	s15 =	sor.u32 $0x1C03, s31;
	s12 =	sshll.u32 s30, $0x9;
	s13 =	ssub.s32 $0x0, s30  }
.LBB2_1:
0x14: {  	[tilespmem:s3], [sflag:$0x3] =	stream.linear.gather [hbm4b:s6+s3], $0x1400, $0x38;
	[tilespmem:$0x19710] =	vst v63  }
0x15: {  	_ =	swait.ge [sflag:s14], $0x1400  }
0x16: {  	[sflag:s14] =	ssyncset.done $0x0  }
0x17: {  	[sflag:s14] =	ssyncadd.s32 $0xFFFFEC00  }
0x18: {  	[spmem:s16], [sflag:s15] =	dma.local [hbm:s7], $0x4E2  }
0x19: {  	_ =	swait.ge [sflag:s14], $0x4E2  }
0x1a: {  	[sflag:s14] =	ssyncset.done $0x0  }
0x1b: {  	s23 =	simm.s32 $0x1400;
	[sflag:s14] =	ssyncadd.s32 $0xFFFFFB1E  }
0x1c: {  	[tilespmem:s23], [sflag:$0x3] =	stream.linear.gather [hbm4b:s8+s3], $0x1400, $0x38;
	[tilespmem:$0x19710] =	vst v63  }
0x1d: {  	_ =	swait.ge [sflag:s14], $0x1400  }
0x1e: {  	[sflag:s14] =	ssyncset.done $0x0  }
0x1f: {  	[sflag:s14] =	ssyncadd.s32 $0xFFFFEC00  }
0x20: {  	[tilespmem:s17], [sflag:$0x3] =	stream.linear.gather [hbm4b:s5+s3], $0x800, $0x38;
	[tilespmem:$0x19710] =	vst v63  }
0x21: {  	_ =	swait.ge [sflag:s14], $0x800  }
0x22: {  	[sflag:s14] =	ssyncset.done $0x0  }
0x23: {  	[sflag:s14] =	ssyncadd.s32 $0xFFFFF800  }
0x24: {  	s24 =	smov.u32 s12;
	[bflag:$0x0] =	sbarrier.arrive $0xFFFF  }
.LBB2_2:
0x25: {  	p0 =	sne.s32 s24, $0x200  }
.Ltmp0:
0x26: {  	_ = 	snop;
	(pc) =	sbr.rel @p0 .LBB2_2-.Ltmp0, $3  }
0x27: {  	_ =	sdelay $0x1  }
0x28: {  	[spmem:s2] =	stream.indirect.scatter.add.f32 [tilespmem:s17], [sflag:$0x2], $0x10, s23, s18, $0xb8;
	[tilespmem:$0x19710] =	vst v63  }
0x29: {  	s23 =	sadd.s32 $0x80, s23;
	s24 =	sadd.s32 $0xFFFFFE00, s24  }
0x2a: {  	p0 =	sne.s32 s12, $0x200  }
.Ltmp1:
0x2b: {  	_ = 	snop;
	(pc) =	sbr.rel @!p0 .LBB2_5-.Ltmp1, $3  }
0x2c: {  	_ =	sdelay $0x1  }
0x2d: {  	s23 =	simm.s32 $0x0;
	s24 =	simm.s32 $0x2800;
	s25 =	sadd.s32 $0xFFFFFE00, s12  }
0x2e: {  	[tilespmem:s24], [sflag:$0x1] =	stream.indirect.gather [hbm4b:s4+s18], $0x10, s23, s18, $0xb8;
	[tilespmem:$0x19710] =	vst v63  }
.LBB2_4:
0x2f: {  	p0 =	sne.s32 s25, $0x200  }
.Ltmp2:
0x30: {  	_ = 	snop;
	(pc) =	sbr.rel @p0 .LBB2_4-.Ltmp2, $4  }
0x31: {  	_ = 	snop  }
0x32: {  	s23 =	sadd.s32 $0x80, s23;
	s24 =	sadd.s32 $0x800, s24  }
0x33: {  	s25 =	sadd.s32 $0xFFFFFE00, s25  }
0x34: {  	[tilespmem:s24], [sflag:$0x1] =	stream.indirect.gather [hbm4b:s4+s18], $0x10, s23, s18, $0xb8;
	[tilespmem:$0x19710] =	vst v63  }
.LBB2_5:
0x35: {  	s23 =	sadd.s32 $0x1, s13  }
0x36: {  	p0 =	seq.s32 s23, $0x0  }
.Ltmp3:
0x37: {  	_ = 	snop;
	(pc) =	sbr.rel @p0 .LBB2_7-.Ltmp3, $3  }
0x38: {  	_ =	sdelay $0x1  }
0x39: {  	_ =	swait.ge [sflag:s19], $0x800  }
0x3a: {  	[sflag:s19] =	ssyncset.done $0x0  }
.LBB2_6:
0x3b: {  	s23 =	sadd.s32 $0x1, s23  }
0x3c: {  	[sflag:s19] =	ssyncadd.s32 $0xFFFFF800;
	p0 =	seq.s32 s23, $0x0  }
.Ltmp4:
0x3d: {  	(pc) =	sbr.rel @!p0 .LBB2_6-.Ltmp4, $3  }
0x3e: {  	_ =	sdelay $0x1  }
0x3f: {  	_ =	swait.ge [sflag:s19], $0x800  }
0x40: {  	[sflag:s19] =	ssyncset.done $0x0  }
.LBB2_7:
0x41: {  	[sflag:s19] =	ssyncadd.s32 $0xFFFFF800;
	s23 =	sadd.s32 $0x1, s13  }
0x42: {  	[hbm4b:s9+s3] =	stream.linear.scatter [tilespmem:s20], [sflag:$0x3], $0x14000, $0x38;
	[tilespmem:$0x19710] =	vst v63  }
0x43: {  	p0 =	seq.s32 s23, $0x0  }
.Ltmp5:
0x44: {  	_ =	swait.ge [sflag:s14], $0x14000;
	(pc) =	sbr.rel @p0 .LBB2_9-.Ltmp5, $4  }
0x45: {  	[sflag:s14] =	ssyncset.done $0x0  }
0x46: {  	[sflag:s14] =	ssyncadd.s32 $0xFFFEC000  }
0x47: {  	_ =	swait.ge [sflag:s21], $0x800  }
0x48: {  	[sflag:s21] =	ssyncset.done $0x0  }
.LBB2_8:
0x49: {  	s23 =	sadd.s32 $0x1, s23  }
0x4a: {  	[sflag:s21] =	ssyncadd.s32 $0xFFFFF800;
	p0 =	seq.s32 s23, $0x0  }
.Ltmp6:
0x4b: {  	(pc) =	sbr.rel @!p0 .LBB2_8-.Ltmp6, $3  }
0x4c: {  	_ =	sdelay $0x1  }
0x4d: {  	_ =	swait.ge [sflag:s21], $0x800  }
0x4e: {  	[sflag:s21] =	ssyncset.done $0x0  }
.LBB2_9:
0x4f: {  	s22 =	sadd.s32 $0x1, s22  }
0x50: {  	[sflag:s21] =	ssyncadd.s32 $0xFFFFF800;
	p0 =	sne.s32 s22, s11  }
.Ltmp7:
0x51: {  	[bflag:$0x0] =	sbarrier.arrive $0xFFFF;
	(pc) =	sbr.rel @p0 .LBB2_1-.Ltmp7, $4  }
0x52: {  	[hbm:s10], [sflag:s15] =	dma.local [spmem:s16], $0x4E2  }
0x53: {  	_ =	swait.ge [sflag:s14], $0x4E2  }
0x54: {  	[sflag:s14] =	ssyncset.done $0x0  }
0x55: {  	[sflag:s14] =	ssyncadd.s32 $0xFFFFFB1E  }
0x56: {  	_ =	sfence.sel $0x180000  }
0x57: {  	[bflag:$0x0] =	sbarrier.arrive $0xFFFF  }
0x58: {  	p0 =	sne.s32 s1, $0x0;
	_ =	strace $0x90000047  }
0x59: {  	s0 =	sadd.s32 @!p0 $0x100000, s0;
	[bflag:$0x2] =	sbarrier.arrive $0xFFFF  }
0x5a: {  	[sflag:s0] =	ssyncadd.tile.s32 @!p0 $0x1;
	_ =	shalt  }
.Lfunc_end2:
_tile_overlayer_lowered:
.L_overlay_start_2:
0x5b: {  	(tag) =	ssettag $0x2  }
0x5c: {  	s0 =	rddreg [dreg:$0x0];
	s2 =	stileid.u32  }
0x5d: {  	s1 =	rddreg [dreg:$0x1];
	p0 =	sne.s32 s2, $0x0  }
0x5e: {  	s3 =	rddreg [dreg:$0x2];
	[bflag:$0x3] =	sbarrier.arrive $0xFFFF;
	s2 =	simm.s32 @!p0 $0x1C03  }
0x5f: {  	[timem:s3], [sflag:s2] =	dma.local @!p0 [hbm:s0], s1  }
0x60: {  	s0 =	simm.s32 @!p0 $0x3  }
0x61: {  	_ =	swait.ge @!p0 [sflag:s0], s1  }
0x62: {  	s1 =	ssub.s32 @!p0 $0x0, s1;
	[sflag:s0] =	ssyncset.done @!p0 $0x0  }
0x63: {  	[sflag:s0] =	ssyncadd.s32 @!p0 s1  }
0x64: {  	[bflag:$0x3] =	sbarrier.arrive $0xFFFF  }
0x65: {  	_ =	shalt  }

// kernel: kernel.13.cloned.1.call-start
scs
__scs_entry_jumppad:
0x0: {  	(pc) =	sbr.rel $0x88, $3  }
0x1: {  	(tag) =	ssettag $0x0;
	lr =	simm.s32 $0x1  }
0x2: {  	[smem:$0x3F8E] =	sst lr;
	_ =	strace $0xD0000000  }
0x3: {  	_ = 	snop  }
0x4: {  	_ = 	snop  }
0x5: {  	_ = 	snop  }
0x6: {  	_ = 	snop  }
0x7: {  	_ = 	snop  }
__scs_overlays_trampoline_lowered:
0x8: {  	[smem:$0x3F9D] =	sst s0  }
0x9: {  	[smem:$0x3F9E] =	sst s1  }
0xa: {  	[smem:$0x3F9F] =	sst s2  }
0xb: {  	[smem:$0x3FA0] =	sst s3  }
0xc: {  	[smem:$0x3FA1] =	sst s4  }
0xd: {  	[smem:$0x3FA2] =	sst s5  }
0xe: {  	[smem:$0x3FA3] =	sst s6  }
0xf: {  	[smem:$0x3FA4] =	sst s7  }
0x10: {  	[smem:$0x3FA5] =	sst s8  }
0x11: {  	[smem:$0x3FA6] =	sst s9;
	s0 =	simm.s32 @!p0 $0x0  }
0x12: {  	s1 =	sld [smem:$0x3F8C];
	s0 =	simm.s32 @p0 $0x1  }
0x13: {  	[smem:$0x3FA7] =	sst s0;
	s0 =	simm.s32 @!p1 $0x0  }
0x14: {  	s2 =	sld [smem:$0x3F8B];
	s0 =	simm.s32 @p1 $0x1  }
0x15: {  	[smem:$0x3FA8] =	sst s0;
	s0 =	simm.s32 @!p2 $0x0  }
0x16: {  	s3 =	sld [smem:$0x3FDB];
	s0 =	simm.s32 @p2 $0x1  }
0x17: {  	s4 =	simm.s32 $0x1BF5;
	[smem:$0x3FAA] =	sst s0  }
0x18: {  	s0 =	sld [smem:$0x3F8D];
	_ =	swait.ge [sflag:s4], $0x0  }
0x19: {  	s7 =	sld [smem:$0x3F8E]  }
0x1a: {  	s8 =	sadd.s32 $0xFFFFE003, lr  }
0x1b: {  	s9 =	sadd.s32 $0xFFFFFEF7, lr;
	s5 =	simm.s32 $0xFFFFFFFF;
	p2 =	slt.u32 s8, $0xFFFFF086  }
0x1c: {  	p1 =	slt.u32 s9, $0xF7A;
	s5 =	simm.s32 @!p2 $0x0  }
0x1d: {  	s5 =	simm.s32 @p1 $0x1;
	p0 =	seq.s32 s7, s2  }
0x1e: {  	s7 =	smul.u32 @!p0 $0xF7A, s2;
	p2 =	seq.s32 @!p0 s5, $0x0  }
0x1f: {  	s9 =	smul.u32 $0xF7A, s1;
	s8 =	simm.s32 @!p0 $0x1BF5;
	p2 =	por !p2, p0  }
0x20: {  	[sflag:s8] =	ssyncset.s32 @!p0 $0xFFFFF086;
	s6 =	sadd.s32 @!p0 s3, s7;
	s7 =	simm.s32 @!p0 $0x108  }
0x21: {  	s3 =	sadd.s32 s3, s9;
	s6 =	sadd.s32 @!p0 $0x88, s6;
	s7 =	simm.s32 @p2 $0x1082  }
0x22: {  	[simem:s7], [sflag:s8] =	dma.local @!p0 [hbm:s6], $0xF7A  }
0x23: {  	s9 =	sor.u32 $0xD0000000, s2;
	s6 =	simm.s32 $0x108;
	_ =	swait.ge @!p0 [sflag:s8], $0x0  }
0x24: {  	s3 =	sadd.s32 $0x88, s3;
	s6 =	simm.s32 @!p1 $0x1082;
	[sflag:s4] =	ssyncset.s32 $0xFFFFF086  }
0x25: {  	[simem:s6], [sflag:s4] =	dma.local [hbm:s3], $0xF7A  }
0x26: {  	[smem:$0x3F8E] =	sst s1;
	(tag) =	ssettag s2;
	_ =	strace s9  }
0x27: {  	s1 =	sld [smem:$0x3F9E]  }
0x28: {  	s2 =	sld [smem:$0x3F9F]  }
0x29: {  	s4 =	sld [smem:$0x3FA1]  }
0x2a: {  	p0 =	seq.s32 s5, $0x0;
	s5 =	sld [smem:$0x3FA2]  }
0x2b: {  	s6 =	sld [smem:$0x3FA3]  }
0x2c: {  	s7 =	sld [smem:$0x3FA4]  }
0x2d: {  	s3 =	simm.s32 $0x108;
	s8 =	sld [smem:$0x3FA5]  }
0x2e: {  	s3 =	simm.s32 @!p0 $0x1082;
	s9 =	sld [smem:$0x3FA6]  }
0x2f: {  	lr =	sadd.s32 s0, s3;
	s0 =	sld [smem:$0x3F9D]  }
0x30: {  	s3 =	sld [smem:$0x3FA0]  }
0x31: {  	[smem:$0x3FA9] =	sst s10  }
0x32: {  	s10 =	sld [smem:$0x3FA7];
	_ =	sdelay $0x3  }
0x33: {  	p0 =	seq.s32 s10, $0x1;
	s10 =	sld [smem:$0x3FA9];
	_ =	sdelay $0x3  }
0x34: {  	[smem:$0x3FA9] =	sst s10  }
0x35: {  	s10 =	sld [smem:$0x3FA8];
	_ =	sdelay $0x3  }
0x36: {  	p1 =	seq.s32 s10, $0x1;
	s10 =	sld [smem:$0x3FA9];
	_ =	sdelay $0x3  }
0x37: {  	[smem:$0x3FA9] =	sst s10  }
0x38: {  	s10 =	sld [smem:$0x3FAA]  }
0x39: {  	_ = 	snop;
	(pc) =	sbr.ind lr, $3  }
0x3a: {  	_ = 	snop  }
0x3b: {  	_ = 	snop  }
0x3c: {  	p2 =	seq.s32 s10, $0x1;
	s10 =	sld [smem:$0x3FA9]  }
0x3d: {  	_ =	shalt  }
0x3e: {  	_ =	shalt  }
0x3f: {  	_ =	shalt  }
0x40: {  	_ =	shalt  }
0x41: {  	_ =	shalt  }
0x42: {  	_ =	shalt  }
0x43: {  	_ =	shalt  }
0x44: {  	_ =	shalt  }
0x45: {  	_ =	shalt  }
0x46: {  	_ =	shalt  }
0x47: {  	_ =	shalt  }
0x48: {  	_ =	shalt  }
0x49: {  	_ =	shalt  }
0x4a: {  	_ =	shalt  }
0x4b: {  	_ =	shalt  }
0x4c: {  	_ =	shalt  }
0x4d: {  	_ =	shalt  }
0x4e: {  	_ =	shalt  }
0x4f: {  	_ =	shalt  }
0x50: {  	_ =	shalt  }
0x51: {  	_ =	shalt  }
0x52: {  	_ =	shalt  }
0x53: {  	_ =	shalt  }
0x54: {  	_ =	shalt  }
0x55: {  	_ =	shalt  }
0x56: {  	_ =	shalt  }
0x57: {  	_ =	shalt  }
0x58: {  	_ =	shalt  }
0x59: {  	_ =	shalt  }
0x5a: {  	_ =	shalt  }
0x5b: {  	_ =	shalt  }
0x5c: {  	_ =	shalt  }
0x5d: {  	_ =	shalt  }
0x5e: {  	_ =	shalt  }
0x5f: {  	_ =	shalt  }
0x60: {  	_ =	shalt  }
0x61: {  	_ =	shalt  }
0x62: {  	_ =	shalt  }
0x63: {  	_ =	shalt  }
0x64: {  	_ =	shalt  }
0x65: {  	_ =	shalt  }
0x66: {  	_ =	shalt  }
0x67: {  	_ =	shalt  }
0x68: {  	_ =	shalt  }
0x69: {  	_ =	shalt  }
0x6a: {  	_ =	shalt  }
0x6b: {  	_ =	shalt  }
0x6c: {  	_ =	shalt  }
0x6d: {  	_ =	shalt  }
0x6e: {  	_ =	shalt  }
0x6f: {  	_ =	shalt  }
0x70: {  	_ =	shalt  }
0x71: {  	_ =	shalt  }
0x72: {  	_ =	shalt  }
0x73: {  	_ =	shalt  }
0x74: {  	_ =	shalt  }
0x75: {  	_ =	shalt  }
0x76: {  	_ =	shalt  }
0x77: {  	_ =	shalt  }
0x78: {  	_ =	shalt  }
0x79: {  	_ =	shalt  }
0x7a: {  	_ =	shalt  }
0x7b: {  	_ =	shalt  }
0x7c: {  	_ =	shalt  }
0x7d: {  	_ =	shalt  }
0x7e: {  	_ =	shalt  }
0x7f: {  	_ =	shalt  }
0x80: {  	_ =	shalt  }
0x81: {  	_ =	shalt  }
0x82: {  	_ =	shalt  }
0x83: {  	_ =	shalt  }
0x84: {  	_ =	shalt  }
0x85: {  	_ =	shalt  }
0x86: {  	_ =	shalt  }
0x87: {  	_ =	shalt  }
.Lfunc_end0:
.L_simem_size_0:
called_computation.1_lowered:
.L_overlay_start_0:
0x88: {  	s2 =	sld [smem:$0x3FD9]  }
0x89: {  	s3 =	sld [smem:$0x3FFE];
	_ =	sdelay $0x1  }
0x8a: {  	s1 =	srdreg.scid  }
0x8b: {  	s0 =	sand.u32 $0x1, s1  }
0x8c: {  	s16 =	sshll.u32 s0, $0xA;
	s2 =	sadd.s32 s3, s2  }
0x8d: {  	s2 =	sadd.s32 s2, s16  }
0x8e: {  	[smem:$0x3FB5] =	sst s2  }
0x8f: {  	_ = 	snop  }
0x90: {  	(tm) =	ssettm $0x1  }
0x91: {  	s17 =	sld [smem:$0x3FFB];
	_ =	sdelay $0x3  }
0x92: {  	_ =	strace s17  }
0x93: {  	s2 =	sld [smem:$0x3FFC];
	_ =	sdelay $0x3  }
0x94: {  	_ =	strace s2  }
0x95: {  	s2 =	sld [smem:$0x3FFD];
	_ =	sdelay $0x3  }
0x96: {  	_ =	strace s2  }
0x97: {  	_ =	strace $0x8FFFFFFF  }
0x98: {  	s18 =	sld [smem:$0x3FDB];
	_ =	sdelay $0x1  }
0x99: {  	s19 =	simm.s32 $_scs_section_size  }
0x9a: {  	s4 =	simm.s32 $_size__tile_overlayer_lowered;
	s5 =	simm.s32 $_tile_overlayer_lowered  }
0x9b: {  	s22 =	simm.s32 $0x1BFF;
	s21 =	sshll.u32 s5, $0x1;
	s2 =	sadd.s32 s19, s18  }
0x9c: {  	s6 =	simm.s32 $0x0;
	s20 =	sshll.u32 s4, $0x1;
	s4 =	sadd.s32 s21, s2  }
0x9d: {  	[timem:s6], [sflag:s22] =	dma.local [hbm:s4], s20  }
0x9e: {  	_ =	swait.ge [sflag:s22], s20  }
0x9f: {  	s3 =	ssub.s32 $0x0, s20;
	[sflag:s22] =	ssyncset.done $0x0  }
0xa0: {  	[sflag:s22] =	ssyncadd.s32 s3;
	_ =	sdelay $0x1  }
0xa1: {  	s23 =	simm.s32 $0x1B8B  }
0xa2: {  	_ =	swait.ge [sflag:s23], $0x1  }
0xa3: {  	[sflag:s23] =	ssyncset.done $0x0  }
0xa4: {  	s25 =	simm.s32 $0x1B8E;
	s24 =	sld [smem:$0x3FFE];
	[sflag:s23] =	ssyncadd.s32 $0xFFFFFFFF  }
0xa5: {  	s26 =	simm.s32 $execute0_lowered;
	[smem:$0x3FD2] =	sst s25  }
0xa6: {  	s4 =	sshll.u32 s26, $0x1;
	_ =	strace $0x80000049;
	[dreg:$0x1] =	wrdreg $0xFFFFFFFF  }
0xa7: {  	s28 =	simm.s32 $_size_execute0_lowered;
	s2 =	sadd.s32 s2, s4;
	[dreg:$0x0] =	wrdreg $0x0  }
0xa8: {  	s4 =	sshll.u32 s28, $0x1;
	[dreg:$0x2] =	wrdreg s2  }
0xa9: {  	[dreg:$0x3] =	wrdreg s4  }
0xaa: {  	[dreg:$0x4] =	wrdreg $0xC0  }
0xab: {  	_ =	task [dreg:s6], $0x5FFFF  }
0xac: {  	[dreg:$0x1] =	wrdreg $0xFFFFFFFF  }
0xad: {  	[dreg:$0x0] =	wrdreg $0x60  }
0xae: {  	[dreg:$0x2] =	wrdreg s24  }
0xaf: {  	[dreg:$0x3] =	wrdreg $0x154000  }
0xb0: {  	[dreg:$0x4] =	wrdreg $0x9  }
0xb1: {  	_ =	task.clear_ibuf [dreg:s6], $0x5FFFF;
	_ =	strace $0x90000049  }
0xb2: {  	s29 =	simm.s32 $0x9;
	_ =	strace $0x8000004B  }
0xb3: {  	_ =	swait.ge [sflag:s29], $0x1  }
0xb4: {  	[sflag:s29] =	ssyncadd.s32 $0xFFFFFFFF  }
0xb5: {  	_ =	strace $0x9000004B  }
0xb6: {  	_ =	sfence  }
0xb7: {  	s30 =	sld [smem:$0x0];
	_ =	sdelay $0x2  }
0xb8: {  	s31 =	sshll.u32 s1, $0xD;
	s1 =	sshrl.u32 s1, $0x2  }
0xb9: {  	s3 =	sand.u32 $0x4000, s31;
	s1 =	sadd.s32 s1, s30  }
0xba: {  	s0 =	sor.u32 s3, s0;
	s1 =	sshll.u32 s1, $0x11  }
0xbb: {  	s0 =	sor.u32 s1, s0  }
0xbc: {  	s0 =	sadd.s32 $0x8F2B, s0  }
0xbd: {  	[sflag:s0] =	ssyncadd.remote.s32 $0x1  }
0xbe: {  	_ =	sfence.sel $0xFFFF  }
0xbf: {  	[dreg:$0x0] =	wrdreg $0xFFFFFFFF;
	(pc) =	sbr.abs _section_cstart, $3  }
0xc0: {  	[dreg:$0x1] =	wrdreg $0xFFFFFFFF  }
0xc1: {  	_ =	task.clear_ibuf [dreg:s6], $0x2FFFF;
	_ =	strace $0x9FFFFFFF  }
0xc2: {  	(tm) =	ssettm $0x7FFFFFFF  }
0xc3: {  	_ =	shalt  }
tec
execute0_lowered:
.L_overlay_start_1:
0x0: {  	(tag) =	ssettag $0x1  }
0x1: {  	s1 =	srdreg.scid;
	s5 =	rddreg [dreg:$0x0]  }
0x2: {  	s0 =	stileid.u32;
	s2 =	rddreg [dreg:$0x1]  }
0x3: {  	s3 =	simm.s32 $0x0;
	s14 =	simm.s32 $0x80;
	s8 =	smul.u32 $0x2710, s0  }
0x4: {  	s15 =	simm.s32 $0x1;
	s4 =	sand.u32 $0x1, s1;
	s12 =	smul.u32 $0xFFFFD800, s0  }
0x5: {  	s16 =	simm.s32 $0x0;
	s25 =	sshll.u32 s0, $0x1;
	s9 =	smul.u32 $0x27100, s4  }
0x6: {  	s1 =	rddreg [dreg:$0x2];
	s6 =	sor.u32 s4, s25;
	s11 =	smul.u32 $0xFFFFEC00, s4  }
0x7: {  	[smem:$0x7FF] =	sst s3;
	s29 =	sshll.u32 s0, $0x6;
	s7 =	smul.u32 $0x2800, s6  }
0x8: {  	_ =	strace $0x8000004A;
	s4 =	ssub.s32 $0x2, s4;
	s6 =	smul.u32 $0x280, s6  }
0x9: {  	s10 =	sshrl.u32 s8, $0x3;
	s13 =	sshrl.u32 s4, $0x1;
	s28 =	sadd.s32 s8, s2  }
0xa: {  	s9 =	sadd.s32 s8, s9;
	s10 =	sadd.s32 s10, s5;
	s13 =	ssub.s32 s4, s13  }
0xb: {  	s26 =	sadd.s32 s12, s11;
	s12 =	sshrl.u32 s28, $0x3;
	s7 =	sadd.s32 s7, s5  }
0xc: {  	s6 =	sadd.s32 s6, s5;
	s9 =	sshrl.u32 s9, $0x3;
	s30 =	sadd.s32 $0x27100, s26  }
0xd: {  	s4 =	sadd.s32 $0x3BC00, s10;
	s9 =	sadd.s32 s9, s5;
	s5 =	sor.u32 $0x1C02, s29  }
0xe: {  	s8 =	smin.u32 s30, $0x1400;
	s6 =	sadd.s32 $0xA800, s6;
	s7 =	sadd.s32 $0x40C00, s7  }
0xf: {  	s31 =	sshrl.u32 s8, $0x7;
	s8 =	sadd.s32 $0x30BA00, s9;
	s9 =	smax.u32 s13, $0x1  }
0x10: {  	s13 =	simm.s32 $0x2;
	s10 =	sshll.u32 s31, $0x9;
	s11 =	ssub.s32 $0x0, s31  }
.LBB2_1:
0x11: {  	[spmem:s12], [sflag:s5] =	dma.local [hbm:s4], $0x4E2  }
0x12: {  	_ =	swait.ge [sflag:s13], $0x4E2  }
0x13: {  	[sflag:s13] =	ssyncset.done $0x0  }
0x14: {  	[sflag:s13] =	ssyncadd.s32 $0xFFFFFB1E  }
0x15: {  	[tilespmem:s3], [sflag:$0x2] =	stream.linear.gather [hbm4b:s6+s3], $0x1400, $0x38;
	[tilespmem:$0x17B10] =	vst v63  }
0x16: {  	_ =	swait.ge [sflag:s13], $0x1400  }
0x17: {  	[sflag:s13] =	ssyncset.done $0x0  }
0x18: {  	s17 =	simm.s32 $0x1400;
	p0 =	sne.s32 s10, $0x200;
	[sflag:s13] =	ssyncadd.s32 $0xFFFFEC00  }
0x19: {  	[tilespmem:s17], [sflag:$0x2] =	stream.linear.gather [hbm4b:s7+s3], $0x14000, $0x38;
	[tilespmem:$0x17B10] =	vst v63  }
.Ltmp0:
0x1a: {  	_ =	swait.ge [sflag:s13], $0x14000;
	(pc) =	sbr.rel @!p0 .LBB2_3-.Ltmp0, $4  }
0x1b: {  	[sflag:s13] =	ssyncset.done $0x0  }
0x1c: {  	[sflag:s13] =	ssyncadd.s32 $0xFFFEC000  }
0x1d: {  	s18 =	sadd.s32 $0xFFFFFE00, s10;
	s19 =	simm.s32 $0x0;
	[bflag:$0x0] =	sbarrier.arrive $0xFFFF  }
0x1e: {  	[spmem:s2] =	stream.indirect.scatter.add.f32 [tilespmem:s17], [sflag:$0x1], $0x10, s3, s14, $0xb8;
	[tilespmem:$0x17B10] =	vst v63  }
.LBB2_2:
0x1f: {  	p0 =	sne.s32 s18, $0x200  }
.Ltmp1:
0x20: {  	_ = 	snop;
	(pc) =	sbr.rel @p0 .LBB2_2-.Ltmp1, $4  }
0x21: {  	_ = 	snop  }
0x22: {  	s19 =	sadd.s32 $0x80, s19;
	s17 =	sadd.s32 $0x800, s17  }
0x23: {  	s18 =	sadd.s32 $0xFFFFFE00, s18  }
0x24: {  	[spmem:s2] =	stream.indirect.scatter.add.f32 [tilespmem:s17], [sflag:$0x1], $0x10, s19, s14, $0xb8;
	[tilespmem:$0x17B10] =	vst v63  }
.LBB2_3:
0x25: {  	s17 =	sadd.s32 $0x1, s11  }
0x26: {  	p0 =	seq.s32 s17, $0x0  }
.Ltmp2:
0x27: {  	_ = 	snop;
	(pc) =	sbr.rel @p0 .LBB2_5-.Ltmp2, $3  }
0x28: {  	_ =	sdelay $0x1  }
0x29: {  	_ =	swait.ge [sflag:s15], $0x800  }
0x2a: {  	[sflag:s15] =	ssyncset.done $0x0  }
.LBB2_4:
0x2b: {  	s17 =	sadd.s32 $0x1, s17  }
0x2c: {  	[sflag:s15] =	ssyncadd.s32 $0xFFFFF800;
	p0 =	seq.s32 s17, $0x0  }
.Ltmp3:
0x2d: {  	(pc) =	sbr.rel @!p0 .LBB2_4-.Ltmp3, $3  }
0x2e: {  	_ =	sdelay $0x1  }
0x2f: {  	_ =	swait.ge [sflag:s15], $0x800  }
0x30: {  	[sflag:s15] =	ssyncset.done $0x0  }
.LBB2_5:
0x31: {  	s16 =	sadd.s32 $0x1, s16  }
0x32: {  	[sflag:s15] =	ssyncadd.s32 $0xFFFFF800;
	p0 =	sne.s32 s16, s9  }
.Ltmp4:
0x33: {  	[bflag:$0x0] =	sbarrier.arrive $0xFFFF;
	(pc) =	sbr.rel @p0 .LBB2_1-.Ltmp4, $4  }
0x34: {  	[hbm:s8], [sflag:s5] =	dma.local [spmem:s12], $0x4E2  }
0x35: {  	_ =	swait.ge [sflag:s13], $0x4E2  }
0x36: {  	[sflag:s13] =	ssyncset.done $0x0  }
0x37: {  	[sflag:s13] =	ssyncadd.s32 $0xFFFFFB1E  }
0x38: {  	_ =	sfence.sel $0x180000  }
0x39: {  	[bflag:$0x0] =	sbarrier.arrive $0xFFFF  }
0x3a: {  	p0 =	sne.s32 s0, $0x0;
	_ =	strace $0x9000004A  }
0x3b: {  	s0 =	sadd.s32 @!p0 $0x100000, s1;
	[bflag:$0x2] =	sbarrier.arrive $0xFFFF  }
0x3c: {  	[sflag:s0] =	ssyncadd.tile.s32 @!p0 $0x1;
	_ =	shalt  }
.Lfunc_end2:
_tile_overlayer_lowered:
.L_overlay_start_2:
0x3d: {  	(tag) =	ssettag $0x2  }
0x3e: {  	s0 =	rddreg [dreg:$0x0];
	s2 =	stileid.u32  }
0x3f: {  	s1 =	rddreg [dreg:$0x1];
	p0 =	sne.s32 s2, $0x0  }
0x40: {  	s3 =	rddreg [dreg:$0x2];
	[bflag:$0x3] =	sbarrier.arrive $0xFFFF;
	s2 =	simm.s32 @!p0 $0x1C02  }
0x41: {  	[timem:s3], [sflag:s2] =	dma.local @!p0 [hbm:s0], s1  }
0x42: {  	s0 =	simm.s32 @!p0 $0x2  }
0x43: {  	_ =	swait.ge @!p0 [sflag:s0], s1  }
0x44: {  	s1 =	ssub.s32 @!p0 $0x0, s1;
	[sflag:s0] =	ssyncset.done @!p0 $0x0  }
0x45: {  	[sflag:s0] =	ssyncadd.s32 @!p0 s1  }
0x46: {  	[bflag:$0x3] =	sbarrier.arrive $0xFFFF  }
0x47: {  	_ =	shalt  }

// kernel: kernel.16.cloned.1.call-start
scs
__scs_entry_jumppad:
0x0: {  	(pc) =	sbr.rel $0x88, $3  }
0x1: {  	(tag) =	ssettag $0x0;
	lr =	simm.s32 $0x1  }
0x2: {  	[smem:$0x3F8E] =	sst lr;
	_ =	strace $0xD0000000  }
0x3: {  	_ = 	snop  }
0x4: {  	_ = 	snop  }
0x5: {  	_ = 	snop  }
0x6: {  	_ = 	snop  }
0x7: {  	_ = 	snop  }
__scs_overlays_trampoline_lowered:
0x8: {  	[smem:$0x3F9D] =	sst s0  }
0x9: {  	[smem:$0x3F9E] =	sst s1  }
0xa: {  	[smem:$0x3F9F] =	sst s2  }
0xb: {  	[smem:$0x3FA0] =	sst s3  }
0xc: {  	[smem:$0x3FA1] =	sst s4  }
0xd: {  	[smem:$0x3FA2] =	sst s5  }
0xe: {  	[smem:$0x3FA3] =	sst s6  }
0xf: {  	[smem:$0x3FA4] =	sst s7  }
0x10: {  	[smem:$0x3FA5] =	sst s8  }
0x11: {  	[smem:$0x3FA6] =	sst s9;
	s0 =	simm.s32 @!p0 $0x0  }
0x12: {  	s1 =	sld [smem:$0x3F8C];
	s0 =	simm.s32 @p0 $0x1  }
0x13: {  	[smem:$0x3FA7] =	sst s0;
	s0 =	simm.s32 @!p1 $0x0  }
0x14: {  	s2 =	sld [smem:$0x3F8B];
	s0 =	simm.s32 @p1 $0x1  }
0x15: {  	[smem:$0x3FA8] =	sst s0;
	s0 =	simm.s32 @!p2 $0x0  }
0x16: {  	s3 =	sld [smem:$0x3FDB];
	s0 =	simm.s32 @p2 $0x1  }
0x17: {  	s4 =	simm.s32 $0x1BF5;
	[smem:$0x3FAA] =	sst s0  }
0x18: {  	s0 =	sld [smem:$0x3F8D];
	_ =	swait.ge [sflag:s4], $0x0  }
0x19: {  	s7 =	sld [smem:$0x3F8E]  }
0x1a: {  	s8 =	sadd.s32 $0xFFFFE003, lr  }
0x1b: {  	s9 =	sadd.s32 $0xFFFFFEF7, lr;
	s5 =	simm.s32 $0xFFFFFFFF;
	p2 =	slt.u32 s8, $0xFFFFF086  }
0x1c: {  	p1 =	slt.u32 s9, $0xF7A;
	s5 =	simm.s32 @!p2 $0x0  }
0x1d: {  	s5 =	simm.s32 @p1 $0x1;
	p0 =	seq.s32 s7, s2  }
0x1e: {  	s7 =	smul.u32 @!p0 $0xF7A, s2;
	p2 =	seq.s32 @!p0 s5, $0x0  }
0x1f: {  	s9 =	smul.u32 $0xF7A, s1;
	s8 =	simm.s32 @!p0 $0x1BF5;
	p2 =	por !p2, p0  }
0x20: {  	[sflag:s8] =	ssyncset.s32 @!p0 $0xFFFFF086;
	s6 =	sadd.s32 @!p0 s3, s7;
	s7 =	simm.s32 @!p0 $0x108  }
0x21: {  	s3 =	sadd.s32 s3, s9;
	s6 =	sadd.s32 @!p0 $0x88, s6;
	s7 =	simm.s32 @p2 $0x1082  }
0x22: {  	[simem:s7], [sflag:s8] =	dma.local @!p0 [hbm:s6], $0xF7A  }
0x23: {  	s9 =	sor.u32 $0xD0000000, s2;
	s6 =	simm.s32 $0x108;
	_ =	swait.ge @!p0 [sflag:s8], $0x0  }
0x24: {  	s3 =	sadd.s32 $0x88, s3;
	s6 =	simm.s32 @!p1 $0x1082;
	[sflag:s4] =	ssyncset.s32 $0xFFFFF086  }
0x25: {  	[simem:s6], [sflag:s4] =	dma.local [hbm:s3], $0xF7A  }
0x26: {  	[smem:$0x3F8E] =	sst s1;
	(tag) =	ssettag s2;
	_ =	strace s9  }
0x27: {  	s1 =	sld [smem:$0x3F9E]  }
0x28: {  	s2 =	sld [smem:$0x3F9F]  }
0x29: {  	s4 =	sld [smem:$0x3FA1]  }
0x2a: {  	p0 =	seq.s32 s5, $0x0;
	s5 =	sld [smem:$0x3FA2]  }
0x2b: {  	s6 =	sld [smem:$0x3FA3]  }
0x2c: {  	s7 =	sld [smem:$0x3FA4]  }
0x2d: {  	s3 =	simm.s32 $0x108;
	s8 =	sld [smem:$0x3FA5]  }
0x2e: {  	s3 =	simm.s32 @!p0 $0x1082;
	s9 =	sld [smem:$0x3FA6]  }
0x2f: {  	lr =	sadd.s32 s0, s3;
	s0 =	sld [smem:$0x3F9D]  }
0x30: {  	s3 =	sld [smem:$0x3FA0]  }
0x31: {  	[smem:$0x3FA9] =	sst s10  }
0x32: {  	s10 =	sld [smem:$0x3FA7];
	_ =	sdelay $0x3  }
0x33: {  	p0 =	seq.s32 s10, $0x1;
	s10 =	sld [smem:$0x3FA9];
	_ =	sdelay $0x3  }
0x34: {  	[smem:$0x3FA9] =	sst s10  }
0x35: {  	s10 =	sld [smem:$0x3FA8];
	_ =	sdelay $0x3  }
0x36: {  	p1 =	seq.s32 s10, $0x1;
	s10 =	sld [smem:$0x3FA9];
	_ =	sdelay $0x3  }
0x37: {  	[smem:$0x3FA9] =	sst s10  }
0x38: {  	s10 =	sld [smem:$0x3FAA]  }
0x39: {  	_ = 	snop;
	(pc) =	sbr.ind lr, $3  }
0x3a: {  	_ = 	snop  }
0x3b: {  	_ = 	snop  }
0x3c: {  	p2 =	seq.s32 s10, $0x1;
	s10 =	sld [smem:$0x3FA9]  }
0x3d: {  	_ =	shalt  }
0x3e: {  	_ =	shalt  }
0x3f: {  	_ =	shalt  }
0x40: {  	_ =	shalt  }
0x41: {  	_ =	shalt  }
0x42: {  	_ =	shalt  }
0x43: {  	_ =	shalt  }
0x44: {  	_ =	shalt  }
0x45: {  	_ =	shalt  }
0x46: {  	_ =	shalt  }
0x47: {  	_ =	shalt  }
0x48: {  	_ =	shalt  }
0x49: {  	_ =	shalt  }
0x4a: {  	_ =	shalt  }
0x4b: {  	_ =	shalt  }
0x4c: {  	_ =	shalt  }
0x4d: {  	_ =	shalt  }
0x4e: {  	_ =	shalt  }
0x4f: {  	_ =	shalt  }
0x50: {  	_ =	shalt  }
0x51: {  	_ =	shalt  }
0x52: {  	_ =	shalt  }
0x53: {  	_ =	shalt  }
0x54: {  	_ =	shalt  }
0x55: {  	_ =	shalt  }
0x56: {  	_ =	shalt  }
0x57: {  	_ =	shalt  }
0x58: {  	_ =	shalt  }
0x59: {  	_ =	shalt  }
0x5a: {  	_ =	shalt  }
0x5b: {  	_ =	shalt  }
0x5c: {  	_ =	shalt  }
0x5d: {  	_ =	shalt  }
0x5e: {  	_ =	shalt  }
0x5f: {  	_ =	shalt  }
0x60: {  	_ =	shalt  }
0x61: {  	_ =	shalt  }
0x62: {  	_ =	shalt  }
0x63: {  	_ =	shalt  }
0x64: {  	_ =	shalt  }
0x65: {  	_ =	shalt  }
0x66: {  	_ =	shalt  }
0x67: {  	_ =	shalt  }
0x68: {  	_ =	shalt  }
0x69: {  	_ =	shalt  }
0x6a: {  	_ =	shalt  }
0x6b: {  	_ =	shalt  }
0x6c: {  	_ =	shalt  }
0x6d: {  	_ =	shalt  }
0x6e: {  	_ =	shalt  }
0x6f: {  	_ =	shalt  }
0x70: {  	_ =	shalt  }
0x71: {  	_ =	shalt  }
0x72: {  	_ =	shalt  }
0x73: {  	_ =	shalt  }
0x74: {  	_ =	shalt  }
0x75: {  	_ =	shalt  }
0x76: {  	_ =	shalt  }
0x77: {  	_ =	shalt  }
0x78: {  	_ =	shalt  }
0x79: {  	_ =	shalt  }
0x7a: {  	_ =	shalt  }
0x7b: {  	_ =	shalt  }
0x7c: {  	_ =	shalt  }
0x7d: {  	_ =	shalt  }
0x7e: {  	_ =	shalt  }
0x7f: {  	_ =	shalt  }
0x80: {  	_ =	shalt  }
0x81: {  	_ =	shalt  }
0x82: {  	_ =	shalt  }
0x83: {  	_ =	shalt  }
0x84: {  	_ =	shalt  }
0x85: {  	_ =	shalt  }
0x86: {  	_ =	shalt  }
0x87: {  	_ =	shalt  }
.Lfunc_end0:
.L_simem_size_0:
called_computation.2_lowered:
.L_overlay_start_0:
0x88: {  	s2 =	sld [smem:$0x3FD9]  }
0x89: {  	s3 =	sld [smem:$0x3FFE];
	_ =	sdelay $0x1  }
0x8a: {  	s1 =	srdreg.scid  }
0x8b: {  	s0 =	sand.u32 $0x1, s1  }
0x8c: {  	s16 =	sshll.u32 s0, $0xA;
	s2 =	sadd.s32 s3, s2  }
0x8d: {  	s2 =	sadd.s32 s2, s16  }
0x8e: {  	[smem:$0x3FB5] =	sst s2  }
0x8f: {  	_ = 	snop  }
0x90: {  	(tm) =	ssettm $0x1  }
0x91: {  	s17 =	sld [smem:$0x3FFB];
	_ =	sdelay $0x3  }
0x92: {  	_ =	strace s17  }
0x93: {  	s2 =	sld [smem:$0x3FFC];
	_ =	sdelay $0x3  }
0x94: {  	_ =	strace s2  }
0x95: {  	s2 =	sld [smem:$0x3FFD];
	_ =	sdelay $0x3  }
0x96: {  	_ =	strace s2  }
0x97: {  	_ =	strace $0x8FFFFFFF  }
0x98: {  	s18 =	sld [smem:$0x3FDB];
	_ =	sdelay $0x1  }
0x99: {  	s19 =	simm.s32 $_scs_section_size  }
0x9a: {  	s4 =	simm.s32 $_size__tile_overlayer_lowered;
	s5 =	simm.s32 $_tile_overlayer_lowered  }
0x9b: {  	s22 =	simm.s32 $0x1BFF;
	s21 =	sshll.u32 s5, $0x1;
	s2 =	sadd.s32 s19, s18  }
0x9c: {  	s6 =	simm.s32 $0x0;
	s20 =	sshll.u32 s4, $0x1;
	s4 =	sadd.s32 s21, s2  }
0x9d: {  	[timem:s6], [sflag:s22] =	dma.local [hbm:s4], s20  }
0x9e: {  	_ =	swait.ge [sflag:s22], s20  }
0x9f: {  	s3 =	ssub.s32 $0x0, s20;
	[sflag:s22] =	ssyncset.done $0x0  }
0xa0: {  	[sflag:s22] =	ssyncadd.s32 s3;
	_ =	sdelay $0x1  }
0xa1: {  	s23 =	simm.s32 $0x1B8B  }
0xa2: {  	_ =	swait.ge [sflag:s23], $0x1  }
0xa3: {  	[sflag:s23] =	ssyncset.done $0x0  }
0xa4: {  	s25 =	simm.s32 $0x1B8E;
	s24 =	sld [smem:$0x3FFE];
	[sflag:s23] =	ssyncadd.s32 $0xFFFFFFFF  }
0xa5: {  	s26 =	simm.s32 $execute0_lowered;
	[smem:$0x3FD2] =	sst s25  }
0xa6: {  	s4 =	sshll.u32 s26, $0x1;
	_ =	strace $0x8000004C;
	[dreg:$0x1] =	wrdreg $0xFFFFFFFF  }
0xa7: {  	s28 =	simm.s32 $_size_execute0_lowered;
	s2 =	sadd.s32 s2, s4;
	[dreg:$0x0] =	wrdreg $0x0  }
0xa8: {  	s4 =	sshll.u32 s28, $0x1;
	[dreg:$0x2] =	wrdreg s2  }
0xa9: {  	[dreg:$0x3] =	wrdreg s4  }
0xaa: {  	[dreg:$0x4] =	wrdreg $0xC0  }
0xab: {  	_ =	task [dreg:s6], $0x5FFFF  }
0xac: {  	[dreg:$0x1] =	wrdreg $0xFFFFFFFF  }
0xad: {  	[dreg:$0x0] =	wrdreg $0x60  }
0xae: {  	[dreg:$0x2] =	wrdreg s24  }
0xaf: {  	[dreg:$0x3] =	wrdreg $0x9  }
0xb0: {  	_ =	task.clear_ibuf [dreg:s6], $0x4FFFF;
	_ =	strace $0x9000004C  }
0xb1: {  	s29 =	simm.s32 $0x9;
	_ =	strace $0x8000004E  }
0xb2: {  	_ =	swait.ge [sflag:s29], $0x1  }
0xb3: {  	[sflag:s29] =	ssyncadd.s32 $0xFFFFFFFF  }
0xb4: {  	_ =	strace $0x9000004E  }
0xb5: {  	_ =	sfence  }
0xb6: {  	s30 =	sld [smem:$0x0];
	_ =	sdelay $0x2  }
0xb7: {  	s31 =	sshll.u32 s1, $0xD;
	s1 =	sshrl.u32 s1, $0x2  }
0xb8: {  	s3 =	sand.u32 $0x4000, s31;
	s1 =	sadd.s32 s1, s30  }
0xb9: {  	s0 =	sor.u32 s3, s0;
	s1 =	sshll.u32 s1, $0x11  }
0xba: {  	s0 =	sor.u32 s1, s0  }
0xbb: {  	s0 =	sadd.s32 $0x8F2B, s0  }
0xbc: {  	[sflag:s0] =	ssyncadd.remote.s32 $0x1  }
0xbd: {  	_ =	sfence.sel $0xFFFF  }
0xbe: {  	[dreg:$0x0] =	wrdreg $0xFFFFFFFF;
	(pc) =	sbr.abs _section_cstart, $3  }
0xbf: {  	[dreg:$0x1] =	wrdreg $0xFFFFFFFF  }
0xc0: {  	_ =	task.clear_ibuf [dreg:s6], $0x2FFFF;
	_ =	strace $0x9FFFFFFF  }
0xc1: {  	(tm) =	ssettm $0x7FFFFFFF  }
tec
execute0_lowered:
.L_overlay_start_1:
0x0: {  	(tag) =	ssettag $0x1  }
0x1: {  	s4 =	rddreg [dreg:$0x0];
	s2 =	srdreg.scid  }
0x2: {  	s0 =	rddreg [dreg:$0x1];
	s1 =	stileid.u32  }
0x3: {  	s10 =	simm.s32 $0x80;
	s11 =	simm.s32 $0x1;
	s12 =	simm.s32 $0x1400  }
0x4: {  	s13 =	simm.s32 $0x0;
	s5 =	sand.u32 $0x1, s2;
	s8 =	smul.u32 $0xFFFFD800, s1  }
0x5: {  	s2 =	simm.s32 $0x0;
	s3 =	sshll.u32 s1, $0x1;
	s6 =	smul.u32 $0xFFFFEC00, s5  }
0x6: {  	[smem:$0x7FF] =	sst s2;
	s7 =	sor.u32 s5, s3;
	s3 =	sadd.s32 $0xF800, s4  }
0x7: {  	s5 =	ssub.s32 $0x2, s5;
	_ =	strace $0x8000004D;
	s9 =	smul.u32 $0x280, s7  }
0x8: {  	s7 =	smul.u32 $0x2800, s7;
	s29 =	sshrl.u32 s5, $0x1;
	s6 =	sadd.s32 s8, s6  }
0x9: {  	s30 =	ssub.s32 s5, s29;
	s28 =	sadd.s32 s9, s4;
	s6 =	sadd.s32 $0x27100, s6  }
0xa: {  	s7 =	sadd.s32 s7, s4;
	s9 =	simm.s32 $0x2;
	s6 =	smin.u32 s6, $0x1400  }
0xb: {  	s4 =	sadd.s32 $0x5800, s28;
	s5 =	sadd.s32 $0x40C00, s7;
	s31 =	sshrl.u32 s6, $0x7  }
0xc: {  	s6 =	smax.u32 s30, $0x1;
	s7 =	sshll.u32 s31, $0x9;
	s8 =	ssub.s32 $0x0, s31  }
.LBB2_1:
0xd: {  	[tilespmem:s2], [sflag:$0x2] =	stream.linear.gather [hbm4b:s4+s2], $0x1400, $0x38;
	[tilespmem:$0x15400] =	vst v63  }
0xe: {  	p0 =	sne.s32 s7, $0x200  }
.Ltmp0:
0xf: {  	_ = 	snop;
	(pc) =	sbr.rel @!p0 .LBB2_3-.Ltmp0, $4  }
0x10: {  	_ =	swait.ge [sflag:s9], $0x1400  }
0x11: {  	s14 =	sadd.s32 $0xFFFFFE00, s7;
	[sflag:s9] =	ssyncset.done $0x0  }
0x12: {  	s15 =	simm.s32 $0x0;
	s16 =	simm.s32 $0x1400;
	[sflag:s9] =	ssyncadd.s32 $0xFFFFEC00  }
0x13: {  	[tilespmem:s12], [sflag:$0x1] =	stream.indirect.gather [hbm4b:s3+s10], $0x10, s2, s10, $0xb8;
	[tilespmem:$0x15400] =	vst v63  }
.LBB2_2:
0x14: {  	p0 =	sne.s32 s14, $0x200  }
.Ltmp1:
0x15: {  	_ = 	snop;
	(pc) =	sbr.rel @p0 .LBB2_2-.Ltmp1, $4  }
0x16: {  	_ = 	snop  }
0x17: {  	s15 =	sadd.s32 $0x80, s15;
	s16 =	sadd.s32 $0x800, s16  }
0x18: {  	s14 =	sadd.s32 $0xFFFFFE00, s14  }
0x19: {  	[tilespmem:s16], [sflag:$0x1] =	stream.indirect.gather [hbm4b:s3+s10], $0x10, s15, s10, $0xb8;
	[tilespmem:$0x15400] =	vst v63  }
.LBB2_3:
0x1a: {  	s14 =	sadd.s32 $0x1, s8  }
0x1b: {  	p0 =	seq.s32 s14, $0x0  }
.Ltmp2:
0x1c: {  	_ = 	snop;
	(pc) =	sbr.rel @p0 .LBB2_5-.Ltmp2, $3  }
0x1d: {  	_ =	sdelay $0x1  }
0x1e: {  	_ =	swait.ge [sflag:s11], $0x800  }
0x1f: {  	[sflag:s11] =	ssyncset.done $0x0  }
.LBB2_4:
0x20: {  	s14 =	sadd.s32 $0x1, s14  }
0x21: {  	[sflag:s11] =	ssyncadd.s32 $0xFFFFF800;
	p0 =	seq.s32 s14, $0x0  }
.Ltmp3:
0x22: {  	(pc) =	sbr.rel @!p0 .LBB2_4-.Ltmp3, $3  }
0x23: {  	_ =	sdelay $0x1  }
0x24: {  	_ =	swait.ge [sflag:s11], $0x800  }
0x25: {  	[sflag:s11] =	ssyncset.done $0x0  }
.LBB2_5:
0x26: {  	s13 =	sadd.s32 $0x1, s13  }
0x27: {  	p0 =	sne.s32 s13, s6  }
.Ltmp4:
0x28: {  	[sflag:s11] =	ssyncadd.s32 $0xFFFFF800;
	(pc) =	sbr.rel @p0 .LBB2_1-.Ltmp4, $4  }
0x29: {  	[hbm4b:s5+s2] =	stream.linear.scatter [tilespmem:s12], [sflag:$0x2], $0x14000, $0x38;
	[tilespmem:$0x15400] =	vst v63  }
0x2a: {  	_ =	swait.ge [sflag:s9], $0x14000  }
0x2b: {  	[sflag:s9] =	ssyncset.done $0x0  }
0x2c: {  	[sflag:s9] =	ssyncadd.s32 $0xFFFEC000  }
0x2d: {  	_ =	sfence.sel $0x180000  }
0x2e: {  	[bflag:$0x0] =	sbarrier.arrive $0xFFFF  }
0x2f: {  	p0 =	sne.s32 s1, $0x0;
	_ =	strace $0x9000004D  }
0x30: {  	s0 =	sadd.s32 @!p0 $0x100000, s0;
	[bflag:$0x2] =	sbarrier.arrive $0xFFFF  }
0x31: {  	[sflag:s0] =	ssyncadd.tile.s32 @!p0 $0x1;
	_ =	shalt  }
.Lfunc_end2:
_tile_overlayer_lowered:
.L_overlay_start_2:
0x32: {  	(tag) =	ssettag $0x2  }
0x33: {  	s0 =	rddreg [dreg:$0x0];
	s2 =	stileid.u32  }
0x34: {  	s1 =	rddreg [dreg:$0x1];
	p0 =	sne.s32 s2, $0x0  }
0x35: {  	s3 =	rddreg [dreg:$0x2];
	[bflag:$0x3] =	sbarrier.arrive $0xFFFF;
	s2 =	simm.s32 @!p0 $0x1C02  }
0x36: {  	[timem:s3], [sflag:s2] =	dma.local @!p0 [hbm:s0], s1  }
0x37: {  	s0 =	simm.s32 @!p0 $0x2  }
0x38: {  	_ =	swait.ge @!p0 [sflag:s0], s1  }
0x39: {  	s1 =	ssub.s32 @!p0 $0x0, s1;
	[sflag:s0] =	ssyncset.done @!p0 $0x0  }
0x3a: {  	[sflag:s0] =	ssyncadd.s32 @!p0 s1  }
0x3b: {  	[bflag:$0x3] =	sbarrier.arrive $0xFFFF  }
0x3c: {  	_ =	shalt  }

// kernel: kernel.19.cloned.1.call-start
scs
__scs_entry_jumppad:
0x0: {  	(pc) =	sbr.rel $0x88, $3  }
0x1: {  	(tag) =	ssettag $0x0;
	lr =	simm.s32 $0x1  }
0x2: {  	[smem:$0x3F8E] =	sst lr;
	_ =	strace $0xD0000000  }
0x3: {  	_ = 	snop  }
0x4: {  	_ = 	snop  }
0x5: {  	_ = 	snop  }
0x6: {  	_ = 	snop  }
0x7: {  	_ = 	snop  }
__scs_overlays_trampoline_lowered:
0x8: {  	[smem:$0x3F9D] =	sst s0  }
0x9: {  	[smem:$0x3F9E] =	sst s1  }
0xa: {  	[smem:$0x3F9F] =	sst s2  }
0xb: {  	[smem:$0x3FA0] =	sst s3  }
0xc: {  	[smem:$0x3FA1] =	sst s4  }
0xd: {  	[smem:$0x3FA2] =	sst s5  }
0xe: {  	[smem:$0x3FA3] =	sst s6  }
0xf: {  	[smem:$0x3FA4] =	sst s7  }
0x10: {  	[smem:$0x3FA5] =	sst s8  }
0x11: {  	[smem:$0x3FA6] =	sst s9;
	s0 =	simm.s32 @!p0 $0x0  }
0x12: {  	s1 =	sld [smem:$0x3F8C];
	s0 =	simm.s32 @p0 $0x1  }
0x13: {  	[smem:$0x3FA7] =	sst s0;
	s0 =	simm.s32 @!p1 $0x0  }
0x14: {  	s2 =	sld [smem:$0x3F8B];
	s0 =	simm.s32 @p1 $0x1  }
0x15: {  	[smem:$0x3FA8] =	sst s0;
	s0 =	simm.s32 @!p2 $0x0  }
0x16: {  	s3 =	sld [smem:$0x3FDB];
	s0 =	simm.s32 @p2 $0x1  }
0x17: {  	s4 =	simm.s32 $0x1BF5;
	[smem:$0x3FAA] =	sst s0  }
0x18: {  	s0 =	sld [smem:$0x3F8D];
	_ =	swait.ge [sflag:s4], $0x0  }
0x19: {  	s7 =	sld [smem:$0x3F8E]  }
0x1a: {  	s8 =	sadd.s32 $0xFFFFE003, lr  }
0x1b: {  	s9 =	sadd.s32 $0xFFFFFEF7, lr;
	s5 =	simm.s32 $0xFFFFFFFF;
	p2 =	slt.u32 s8, $0xFFFFF086  }
0x1c: {  	p1 =	slt.u32 s9, $0xF7A;
	s5 =	simm.s32 @!p2 $0x0  }
0x1d: {  	s5 =	simm.s32 @p1 $0x1;
	p0 =	seq.s32 s7, s2  }
0x1e: {  	s7 =	smul.u32 @!p0 $0xF7A, s2;
	p2 =	seq.s32 @!p0 s5, $0x0  }
0x1f: {  	s9 =	smul.u32 $0xF7A, s1;
	s8 =	simm.s32 @!p0 $0x1BF5;
	p2 =	por !p2, p0  }
0x20: {  	[sflag:s8] =	ssyncset.s32 @!p0 $0xFFFFF086;
	s6 =	sadd.s32 @!p0 s3, s7;
	s7 =	simm.s32 @!p0 $0x108  }
0x21: {  	s3 =	sadd.s32 s3, s9;
	s6 =	sadd.s32 @!p0 $0x88, s6;
	s7 =	simm.s32 @p2 $0x1082  }
0x22: {  	[simem:s7], [sflag:s8] =	dma.local @!p0 [hbm:s6], $0xF7A  }
0x23: {  	s9 =	sor.u32 $0xD0000000, s2;
	s6 =	simm.s32 $0x108;
	_ =	swait.ge @!p0 [sflag:s8], $0x0  }
0x24: {  	s3 =	sadd.s32 $0x88, s3;
	s6 =	simm.s32 @!p1 $0x1082;
	[sflag:s4] =	ssyncset.s32 $0xFFFFF086  }
0x25: {  	[simem:s6], [sflag:s4] =	dma.local [hbm:s3], $0xF7A  }
0x26: {  	[smem:$0x3F8E] =	sst s1;
	(tag) =	ssettag s2;
	_ =	strace s9  }
0x27: {  	s1 =	sld [smem:$0x3F9E]  }
0x28: {  	s2 =	sld [smem:$0x3F9F]  }
0x29: {  	s4 =	sld [smem:$0x3FA1]  }
0x2a: {  	p0 =	seq.s32 s5, $0x0;
	s5 =	sld [smem:$0x3FA2]  }
0x2b: {  	s6 =	sld [smem:$0x3FA3]  }
0x2c: {  	s7 =	sld [smem:$0x3FA4]  }
0x2d: {  	s3 =	simm.s32 $0x108;
	s8 =	sld [smem:$0x3FA5]  }
0x2e: {  	s3 =	simm.s32 @!p0 $0x1082;
	s9 =	sld [smem:$0x3FA6]  }
0x2f: {  	lr =	sadd.s32 s0, s3;
	s0 =	sld [smem:$0x3F9D]  }
0x30: {  	s3 =	sld [smem:$0x3FA0]  }
0x31: {  	[smem:$0x3FA9] =	sst s10  }
0x32: {  	s10 =	sld [smem:$0x3FA7];
	_ =	sdelay $0x3  }
0x33: {  	p0 =	seq.s32 s10, $0x1;
	s10 =	sld [smem:$0x3FA9];
	_ =	sdelay $0x3  }
0x34: {  	[smem:$0x3FA9] =	sst s10  }
0x35: {  	s10 =	sld [smem:$0x3FA8];
	_ =	sdelay $0x3  }
0x36: {  	p1 =	seq.s32 s10, $0x1;
	s10 =	sld [smem:$0x3FA9];
	_ =	sdelay $0x3  }
0x37: {  	[smem:$0x3FA9] =	sst s10  }
0x38: {  	s10 =	sld [smem:$0x3FAA]  }
0x39: {  	_ = 	snop;
	(pc) =	sbr.ind lr, $3  }
0x3a: {  	_ = 	snop  }
0x3b: {  	_ = 	snop  }
0x3c: {  	p2 =	seq.s32 s10, $0x1;
	s10 =	sld [smem:$0x3FA9]  }
0x3d: {  	_ =	shalt  }
0x3e: {  	_ =	shalt  }
0x3f: {  	_ =	shalt  }
0x40: {  	_ =	shalt  }
0x41: {  	_ =	shalt  }
0x42: {  	_ =	shalt  }
0x43: {  	_ =	shalt  }
0x44: {  	_ =	shalt  }
0x45: {  	_ =	shalt  }
0x46: {  	_ =	shalt  }
0x47: {  	_ =	shalt  }
0x48: {  	_ =	shalt  }
0x49: {  	_ =	shalt  }
0x4a: {  	_ =	shalt  }
0x4b: {  	_ =	shalt  }
0x4c: {  	_ =	shalt  }
0x4d: {  	_ =	shalt  }
0x4e: {  	_ =	shalt  }
0x4f: {  	_ =	shalt  }
0x50: {  	_ =	shalt  }
0x51: {  	_ =	shalt  }
0x52: {  	_ =	shalt  }
0x53: {  	_ =	shalt  }
0x54: {  	_ =	shalt  }
0x55: {  	_ =	shalt  }
0x56: {  	_ =	shalt  }
0x57: {  	_ =	shalt  }
0x58: {  	_ =	shalt  }
0x59: {  	_ =	shalt  }
0x5a: {  	_ =	shalt  }
0x5b: {  	_ =	shalt  }
0x5c: {  	_ =	shalt  }
0x5d: {  	_ =	shalt  }
0x5e: {  	_ =	shalt  }
0x5f: {  	_ =	shalt  }
0x60: {  	_ =	shalt  }
0x61: {  	_ =	shalt  }
0x62: {  	_ =	shalt  }
0x63: {  	_ =	shalt  }
0x64: {  	_ =	shalt  }
0x65: {  	_ =	shalt  }
0x66: {  	_ =	shalt  }
0x67: {  	_ =	shalt  }
0x68: {  	_ =	shalt  }
0x69: {  	_ =	shalt  }
0x6a: {  	_ =	shalt  }
0x6b: {  	_ =	shalt  }
0x6c: {  	_ =	shalt  }
0x6d: {  	_ =	shalt  }
0x6e: {  	_ =	shalt  }
0x6f: {  	_ =	shalt  }
0x70: {  	_ =	shalt  }
0x71: {  	_ =	shalt  }
0x72: {  	_ =	shalt  }
0x73: {  	_ =	shalt  }
0x74: {  	_ =	shalt  }
0x75: {  	_ =	shalt  }
0x76: {  	_ =	shalt  }
0x77: {  	_ =	shalt  }
0x78: {  	_ =	shalt  }
0x79: {  	_ =	shalt  }
0x7a: {  	_ =	shalt  }
0x7b: {  	_ =	shalt  }
0x7c: {  	_ =	shalt  }
0x7d: {  	_ =	shalt  }
0x7e: {  	_ =	shalt  }
0x7f: {  	_ =	shalt  }
0x80: {  	_ =	shalt  }
0x81: {  	_ =	shalt  }
0x82: {  	_ =	shalt  }
0x83: {  	_ =	shalt  }
0x84: {  	_ =	shalt  }
0x85: {  	_ =	shalt  }
0x86: {  	_ =	shalt  }
0x87: {  	_ =	shalt  }
.Lfunc_end0:
.L_simem_size_0:
called_computation.3_lowered:
.L_overlay_start_0:
0x88: {  	s2 =	sld [smem:$0x3FD9]  }
0x89: {  	s3 =	sld [smem:$0x3FFE];
	_ =	sdelay $0x1  }
0x8a: {  	s1 =	srdreg.scid  }
0x8b: {  	s0 =	sand.u32 $0x1, s1  }
0x8c: {  	s16 =	sshll.u32 s0, $0xA;
	s2 =	sadd.s32 s3, s2  }
0x8d: {  	s2 =	sadd.s32 s2, s16  }
0x8e: {  	[smem:$0x3FB5] =	sst s2  }
0x8f: {  	_ = 	snop  }
0x90: {  	(tm) =	ssettm $0x1  }
0x91: {  	s17 =	sld [smem:$0x3FFB];
	_ =	sdelay $0x3  }
0x92: {  	_ =	strace s17  }
0x93: {  	s2 =	sld [smem:$0x3FFC];
	_ =	sdelay $0x3  }
0x94: {  	_ =	strace s2  }
0x95: {  	s2 =	sld [smem:$0x3FFD];
	_ =	sdelay $0x3  }
0x96: {  	_ =	strace s2  }
0x97: {  	_ =	strace $0x8FFFFFFF  }
0x98: {  	s18 =	sld [smem:$0x3FDB];
	_ =	sdelay $0x1  }
0x99: {  	s19 =	simm.s32 $_scs_section_size  }
0x9a: {  	s4 =	simm.s32 $_size__tile_overlayer_lowered;
	s5 =	simm.s32 $_tile_overlayer_lowered  }
0x9b: {  	s22 =	simm.s32 $0x1BFF;
	s21 =	sshll.u32 s5, $0x1;
	s2 =	sadd.s32 s19, s18  }
0x9c: {  	s6 =	simm.s32 $0x0;
	s20 =	sshll.u32 s4, $0x1;
	s4 =	sadd.s32 s21, s2  }
0x9d: {  	[timem:s6], [sflag:s22] =	dma.local [hbm:s4], s20  }
0x9e: {  	_ =	swait.ge [sflag:s22], s20  }
0x9f: {  	s3 =	ssub.s32 $0x0, s20;
	[sflag:s22] =	ssyncset.done $0x0  }
0xa0: {  	[sflag:s22] =	ssyncadd.s32 s3;
	_ =	sdelay $0x1  }
0xa1: {  	s23 =	simm.s32 $0x1B8B  }
0xa2: {  	_ =	swait.ge [sflag:s23], $0x1  }
0xa3: {  	[sflag:s23] =	ssyncset.done $0x0  }
0xa4: {  	s25 =	simm.s32 $0x1B8E;
	s24 =	sld [smem:$0x3FFE];
	[sflag:s23] =	ssyncadd.s32 $0xFFFFFFFF  }
0xa5: {  	s26 =	simm.s32 $execute0_lowered;
	[smem:$0x3FD2] =	sst s25  }
0xa6: {  	s4 =	sshll.u32 s26, $0x1;
	_ =	strace $0x8000004F;
	[dreg:$0x1] =	wrdreg $0xFFFFFFFF  }
0xa7: {  	s28 =	simm.s32 $_size_execute0_lowered;
	s2 =	sadd.s32 s2, s4;
	[dreg:$0x0] =	wrdreg $0x0  }
0xa8: {  	s4 =	sshll.u32 s28, $0x1;
	[dreg:$0x2] =	wrdreg s2  }
0xa9: {  	[dreg:$0x3] =	wrdreg s4  }
0xaa: {  	[dreg:$0x4] =	wrdreg $0xC0  }
0xab: {  	_ =	task [dreg:s6], $0x5FFFF  }
0xac: {  	[dreg:$0x1] =	wrdreg $0xFFFFFFFF  }
0xad: {  	[dreg:$0x0] =	wrdreg $0x60  }
0xae: {  	[dreg:$0x2] =	wrdreg s24  }
0xaf: {  	[dreg:$0x3] =	wrdreg $0x154000  }
0xb0: {  	[dreg:$0x4] =	wrdreg $0x9  }
0xb1: {  	_ =	task.clear_ibuf [dreg:s6], $0x5FFFF;
	_ =	strace $0x9000004F  }
0xb2: {  	s29 =	simm.s32 $0x9;
	_ =	strace $0x80000051  }
0xb3: {  	_ =	swait.ge [sflag:s29], $0x1  }
0xb4: {  	[sflag:s29] =	ssyncadd.s32 $0xFFFFFFFF  }
0xb5: {  	_ =	strace $0x90000051  }
0xb6: {  	_ =	sfence  }
0xb7: {  	s30 =	sld [smem:$0x0];
	_ =	sdelay $0x2  }
0xb8: {  	s31 =	sshll.u32 s1, $0xD;
	s1 =	sshrl.u32 s1, $0x2  }
0xb9: {  	s3 =	sand.u32 $0x4000, s31;
	s1 =	sadd.s32 s1, s30  }
0xba: {  	s0 =	sor.u32 s3, s0;
	s1 =	sshll.u32 s1, $0x11  }
0xbb: {  	s0 =	sor.u32 s1, s0  }
0xbc: {  	s0 =	sadd.s32 $0x8F2B, s0  }
0xbd: {  	[sflag:s0] =	ssyncadd.remote.s32 $0x1  }
0xbe: {  	_ =	sfence.sel $0xFFFF  }
0xbf: {  	[dreg:$0x0] =	wrdreg $0xFFFFFFFF;
	(pc) =	sbr.abs _section_cstart, $3  }
0xc0: {  	[dreg:$0x1] =	wrdreg $0xFFFFFFFF  }
0xc1: {  	_ =	task.clear_ibuf [dreg:s6], $0x2FFFF;
	_ =	strace $0x9FFFFFFF  }
0xc2: {  	(tm) =	ssettm $0x7FFFFFFF  }
0xc3: {  	_ =	shalt  }
tec
execute0_lowered:
.L_overlay_start_1:
0x0: {  	(tag) =	ssettag $0x1  }
0x1: {  	s1 =	srdreg.scid;
	s5 =	rddreg [dreg:$0x0]  }
0x2: {  	s0 =	stileid.u32;
	s2 =	rddreg [dreg:$0x1]  }
0x3: {  	s3 =	simm.s32 $0x0;
	s14 =	simm.s32 $0x80;
	s8 =	smul.u32 $0x2710, s0  }
0x4: {  	s15 =	simm.s32 $0x1;
	s4 =	sand.u32 $0x1, s1;
	s12 =	smul.u32 $0xFFFFD800, s0  }
0x5: {  	s16 =	simm.s32 $0x0;
	s25 =	sshll.u32 s0, $0x1;
	s9 =	smul.u32 $0x27100, s4  }
0x6: {  	s1 =	rddreg [dreg:$0x2];
	s6 =	sor.u32 s4, s25;
	s11 =	smul.u32 $0xFFFFEC00, s4  }
0x7: {  	[smem:$0x7FF] =	sst s3;
	s29 =	sshll.u32 s0, $0x6;
	s7 =	smul.u32 $0x2800, s6  }
0x8: {  	_ =	strace $0x80000050;
	s4 =	ssub.s32 $0x2, s4;
	s6 =	smul.u32 $0x280, s6  }
0x9: {  	s10 =	sshrl.u32 s8, $0x3;
	s13 =	sshrl.u32 s4, $0x1;
	s28 =	sadd.s32 s8, s2  }
0xa: {  	s9 =	sadd.s32 s8, s9;
	s10 =	sadd.s32 s10, s5;
	s13 =	ssub.s32 s4, s13  }
0xb: {  	s26 =	sadd.s32 s12, s11;
	s12 =	sshrl.u32 s28, $0x3;
	s7 =	sadd.s32 s7, s5  }
0xc: {  	s6 =	sadd.s32 s6, s5;
	s9 =	sshrl.u32 s9, $0x3;
	s30 =	sadd.s32 $0x27100, s26  }
0xd: {  	s4 =	sadd.s32 $0x3BC00, s10;
	s9 =	sadd.s32 s9, s5;
	s5 =	sor.u32 $0x1C02, s29  }
0xe: {  	s8 =	smin.u32 s30, $0x1400;
	s6 =	sadd.s32 $0xA800, s6;
	s7 =	sadd.s32 $0x40C00, s7  }
0xf: {  	s31 =	sshrl.u32 s8, $0x7;
	s8 =	sadd.s32 $0x14800, s9;
	s9 =	smax.u32 s13, $0x1  }
0x10: {  	s13 =	simm.s32 $0x2;
	s10 =	sshll.u32 s31, $0x9;
	s11 =	ssub.s32 $0x0, s31  }
.LBB2_1:
0x11: {  	[spmem:s12], [sflag:s5] =	dma.local [hbm:s4], $0x4E2  }
0x12: {  	_ =	swait.ge [sflag:s13], $0x4E2  }
0x13: {  	[sflag:s13] =	ssyncset.done $0x0  }
0x14: {  	[sflag:s13] =	ssyncadd.s32 $0xFFFFFB1E  }
0x15: {  	[tilespmem:s3], [sflag:$0x2] =	stream.linear.gather [hbm4b:s6+s3], $0x1400, $0x38;
	[tilespmem:$0x17B10] =	vst v63  }
0x16: {  	_ =	swait.ge [sflag:s13], $0x1400  }
0x17: {  	[sflag:s13] =	ssyncset.done $0x0  }
0x18: {  	s17 =	simm.s32 $0x1400;
	p0 =	sne.s32 s10, $0x200;
	[sflag:s13] =	ssyncadd.s32 $0xFFFFEC00  }
0x19: {  	[tilespmem:s17], [sflag:$0x2] =	stream.linear.gather [hbm4b:s7+s3], $0x14000, $0x38;
	[tilespmem:$0x17B10] =	vst v63  }
.Ltmp0:
0x1a: {  	_ =	swait.ge [sflag:s13], $0x14000;
	(pc) =	sbr.rel @!p0 .LBB2_3-.Ltmp0, $4  }
0x1b: {  	[sflag:s13] =	ssyncset.done $0x0  }
0x1c: {  	[sflag:s13] =	ssyncadd.s32 $0xFFFEC000  }
0x1d: {  	s18 =	sadd.s32 $0xFFFFFE00, s10;
	s19 =	simm.s32 $0x0;
	[bflag:$0x0] =	sbarrier.arrive $0xFFFF  }
0x1e: {  	[spmem:s2] =	stream.indirect.scatter.add.f32 [tilespmem:s17], [sflag:$0x1], $0x10, s3, s14, $0xb8;
	[tilespmem:$0x17B10] =	vst v63  }
.LBB2_2:
0x1f: {  	p0 =	sne.s32 s18, $0x200  }
.Ltmp1:
0x20: {  	_ = 	snop;
	(pc) =	sbr.rel @p0 .LBB2_2-.Ltmp1, $4  }
0x21: {  	_ = 	snop  }
0x22: {  	s19 =	sadd.s32 $0x80, s19;
	s17 =	sadd.s32 $0x800, s17  }
0x23: {  	s18 =	sadd.s32 $0xFFFFFE00, s18  }
0x24: {  	[spmem:s2] =	stream.indirect.scatter.add.f32 [tilespmem:s17], [sflag:$0x1], $0x10, s19, s14, $0xb8;
	[tilespmem:$0x17B10] =	vst v63  }
.LBB2_3:
0x25: {  	s17 =	sadd.s32 $0x1, s11  }
0x26: {  	p0 =	seq.s32 s17, $0x0  }
.Ltmp2:
0x27: {  	_ = 	snop;
	(pc) =	sbr.rel @p0 .LBB2_5-.Ltmp2, $3  }
0x28: {  	_ =	sdelay $0x1  }
0x29: {  	_ =	swait.ge [sflag:s15], $0x800  }
0x2a: {  	[sflag:s15] =	ssyncset.done $0x0  }
.LBB2_4:
0x2b: {  	s17 =	sadd.s32 $0x1, s17  }
0x2c: {  	[sflag:s15] =	ssyncadd.s32 $0xFFFFF800;
	p0 =	seq.s32 s17, $0x0  }
.Ltmp3:
0x2d: {  	(pc) =	sbr.rel @!p0 .LBB2_4-.Ltmp3, $3  }
0x2e: {  	_ =	sdelay $0x1  }
0x2f: {  	_ =	swait.ge [sflag:s15], $0x800  }
0x30: {  	[sflag:s15] =	ssyncset.done $0x0  }
.LBB2_5:
0x31: {  	s16 =	sadd.s32 $0x1, s16  }
0x32: {  	[sflag:s15] =	ssyncadd.s32 $0xFFFFF800;
	p0 =	sne.s32 s16, s9  }
.Ltmp4:
0x33: {  	[bflag:$0x0] =	sbarrier.arrive $0xFFFF;
	(pc) =	sbr.rel @p0 .LBB2_1-.Ltmp4, $4  }
0x34: {  	[hbm:s8], [sflag:s5] =	dma.local [spmem:s12], $0x4E2  }
0x35: {  	_ =	swait.ge [sflag:s13], $0x4E2  }
0x36: {  	[sflag:s13] =	ssyncset.done $0x0  }
0x37: {  	[sflag:s13] =	ssyncadd.s32 $0xFFFFFB1E  }
0x38: {  	_ =	sfence.sel $0x180000  }
0x39: {  	[bflag:$0x0] =	sbarrier.arrive $0xFFFF  }
0x3a: {  	p0 =	sne.s32 s0, $0x0;
	_ =	strace $0x90000050  }
0x3b: {  	s0 =	sadd.s32 @!p0 $0x100000, s1;
	[bflag:$0x2] =	sbarrier.arrive $0xFFFF  }
0x3c: {  	[sflag:s0] =	ssyncadd.tile.s32 @!p0 $0x1;
	_ =	shalt  }
.Lfunc_end2:
_tile_overlayer_lowered:
.L_overlay_start_2:
0x3d: {  	(tag) =	ssettag $0x2  }
0x3e: {  	s0 =	rddreg [dreg:$0x0];
	s2 =	stileid.u32  }
0x3f: {  	s1 =	rddreg [dreg:$0x1];
	p0 =	sne.s32 s2, $0x0  }
0x40: {  	s3 =	rddreg [dreg:$0x2];
	[bflag:$0x3] =	sbarrier.arrive $0xFFFF;
	s2 =	simm.s32 @!p0 $0x1C02  }
0x41: {  	[timem:s3], [sflag:s2] =	dma.local @!p0 [hbm:s0], s1  }
0x42: {  	s0 =	simm.s32 @!p0 $0x2  }
0x43: {  	_ =	swait.ge @!p0 [sflag:s0], s1  }
0x44: {  	s1 =	ssub.s32 @!p0 $0x0, s1;
	[sflag:s0] =	ssyncset.done @!p0 $0x0  }
0x45: {  	[sflag:s0] =	ssyncadd.s32 @!p0 s1  }
0x46: {  	[bflag:$0x3] =	sbarrier.arrive $0xFFFF  }
0x47: {  	_ =	shalt  }

</sc_bundles>
